<compile_context>
chip_gen: v7x
topology: tpu7x:2x2x1
jax: 0.10.2.dev20260603
libtpu: 0.0.44.dev20260713+nightly
codegen_flags: <defaults>
</compile_context>

<pallas_src>
import functools

import jax
import jax.numpy as jnp
from jax import lax
from jax.experimental import pallas as pl
from jax.experimental.pallas import tpu as pltpu
from jax.experimental.pallas import tpu_sc as plsc

EPS = 1e-5
H = 128
C = 40
NC = 2
NS = 16
NW = NC * NS
LANES = 16



def _mm_body(x_ref, w_ref, b_ref, o_ref):
    o_ref[...] = (
        jnp.dot(x_ref[...], w_ref[...], preferred_element_type=jnp.float32)
        + b_ref[...]
    )


def _mm2_body(x_ref, w1_ref, b1_ref, w2_ref, b2_ref, o1_ref, o2_ref):
    y = (jnp.dot(x_ref[...], w1_ref[...], preferred_element_type=jnp.float32)
         + b1_ref[...])
    o1_ref[...] = y.astype(o1_ref.dtype)
    o2_ref[...] = (
        jnp.dot(y, w2_ref[...], preferred_element_type=jnp.float32)
        + b2_ref[...])


def _linear2(x, wt1, b1, wt2, b2, block_rows):
    rows, k = x.shape
    h1 = wt1.shape[1]
    h2 = wt2.shape[1]
    assert rows % block_rows == 0
    return pl.pallas_call(
        _mm2_body,
        grid=(rows // block_rows,),
        in_specs=[
            pl.BlockSpec((block_rows, k), lambda i: (i, 0)),
            pl.BlockSpec((k, h1), lambda i: (0, 0)),
            pl.BlockSpec((1, h1), lambda i: (0, 0)),
            pl.BlockSpec((h1, h2), lambda i: (0, 0)),
            pl.BlockSpec((1, h2), lambda i: (0, 0)),
        ],
        out_specs=[
            pl.BlockSpec((block_rows, h1), lambda i: (i, 0)),
            pl.BlockSpec((block_rows, h2), lambda i: (i, 0)),
        ],
        out_shape=[
            jax.ShapeDtypeStruct((rows, h1), jnp.bfloat16),
            jax.ShapeDtypeStruct((rows, h2), jnp.float32),
        ],
    )(x, wt1, b1.reshape(1, -1), wt2, b2.reshape(1, -1))


def _linear(x, wt, b, block_rows):
    rows, k = x.shape
    h = wt.shape[1]
    assert rows % block_rows == 0
    return pl.pallas_call(
        _mm_body,
        grid=(rows // block_rows,),
        in_specs=[
            pl.BlockSpec((block_rows, k), lambda i: (i, 0)),
            pl.BlockSpec((k, h), lambda i: (0, 0)),
            pl.BlockSpec((1, h), lambda i: (0, 0)),
        ],
        out_specs=pl.BlockSpec((block_rows, h), lambda i: (i, 0)),
        out_shape=jax.ShapeDtypeStruct((rows, h), jnp.float32),
    )(x, wt, b.reshape(1, -1))



def _sc_edge_body(need_e, nch, ce_hbm, dh_hbm, eh_hbm, bh_hbm, src_hbm,
                  dst_hbm, zeros_hbm, ehat_hbm, stats_hbm, aggp_hbm,
                  idx_s0, idx_d0, ce_v0, dh_v0, eh_v0, bh_v0,
                  idx_s1, idx_d1, ce_v1, dh_v1, eh_v1, bh_v1,
                  sum_v, sq_v, agg_sh,
                  sem_idx0, sem_idx1, sem_in0, sem_in1, sem_out0, sem_out1):
    c = lax.axis_index("c")
    s = lax.axis_index("s")
    wid = s * NC + c

    bufs = [(idx_s0, idx_d0, ce_v0, dh_v0, eh_v0, bh_v0),
            (idx_s1, idx_d1, ce_v1, dh_v1, eh_v1, bh_v1)]
    sem_idx = [sem_idx0, sem_idx1]
    sem_in = [sem_in0, sem_in1]
    sem_out = [sem_out0, sem_out1]

    @pl.when(s == 0)
    def _zero():
        pltpu.sync_copy(zeros_hbm, agg_sh)

    plsc.subcore_barrier()

    assert nch % NW == 0 and (nch // NW) % 2 == 0
    npairs = (nch // NW) // 2

    def _base(k):
        return (wid + k * NW) * C

    def issue_idx(k, b):
        idx_s, idx_d = bufs[b][0], bufs[b][1]
        base = _base(k)
        pltpu.async_copy(src_hbm.at[pl.ds(base, C)], idx_s, sem_idx[b])
        pltpu.async_copy(dst_hbm.at[pl.ds(base, C)], idx_d, sem_idx[b])

    def wait_idx(b):
        idx_s, idx_d = bufs[b][0], bufs[b][1]
        pltpu.make_async_copy(src_hbm.at[pl.ds(0, C)], idx_s, sem_idx[b]).wait()
        pltpu.make_async_copy(dst_hbm.at[pl.ds(0, C)], idx_d, sem_idx[b]).wait()

    def issue_in(k, b):
        idx_s, idx_d, ce_v, dh_v, eh_v, bh_v = bufs[b]
        base = _base(k)
        pltpu.async_copy(ce_hbm.at[pl.ds(base, C)], ce_v, sem_in[b])
        pltpu.async_copy(dh_hbm.at[idx_d], dh_v, sem_in[b])
        pltpu.async_copy(eh_hbm.at[idx_s], eh_v, sem_in[b])
        pltpu.async_copy(bh_hbm.at[idx_s], bh_v, sem_in[b])

    def wait_in(b):
        idx_s, idx_d, ce_v, dh_v, eh_v, bh_v = bufs[b]
        pltpu.make_async_copy(ce_hbm.at[pl.ds(0, C)], ce_v, sem_in[b]).wait()
        pltpu.make_async_copy(dh_hbm.at[idx_d], dh_v, sem_in[b]).wait()
        pltpu.make_async_copy(eh_hbm.at[idx_s], eh_v, sem_in[b]).wait()
        pltpu.make_async_copy(bh_hbm.at[idx_s], bh_v, sem_in[b]).wait()

    def issue_out(k, b):
        idx_d, ce_v, bh_v = bufs[b][1], bufs[b][2], bufs[b][5]
        if need_e:
            pltpu.async_copy(ce_v, ehat_hbm.at[pl.ds(_base(k), C)], sem_out[b])
        pltpu.sync_copy(bh_v, agg_sh.at[idx_d], add=True)

    def wait_out(b):
        ce_v = bufs[b][2]
        if need_e:
            pltpu.make_async_copy(
                ce_v, ehat_hbm.at[pl.ds(0, C)], sem_out[b]).wait()

    def compute(b, acc):
        ce_v, dh_v, eh_v, bh_v = bufs[b][2], bufs[b][3], bufs[b][4], bufs[b][5]

        def row_body(r, racc):
            new_s = []
            new_q = []
            for j in range(H // LANES):
                sl = pl.ds(j * LANES, LANES)
                ehat = ce_v[r, sl] + dh_v[r, sl] + eh_v[r, sl]
                sig = 1.0 / (1.0 + jnp.exp(-ehat))
                bh_v[r, sl] = sig * bh_v[r, sl]
                if need_e:
                    ce_v[r, sl] = ehat
                    new_s.append(racc[j] + ehat)
                    new_q.append(racc[j + H // LANES] + ehat * ehat)
            return tuple(new_s + new_q) if need_e else racc

        return lax.fori_loop(0, C, row_body, acc)

    issue_idx(0, 0)
    issue_idx(1, 1)
    wait_idx(0)
    issue_in(0, 0)

    def pair_body(i, acc):
        @pl.when(i > 0)
        def _():
            wait_out(1)
        wait_idx(1)
        issue_in(2 * i + 1, 1)
        wait_in(0)
        acc = compute(0, acc)
        issue_out(2 * i, 0)

        @pl.when(i < npairs - 1)
        def _():
            issue_idx(2 * i + 2, 0)

        @pl.when(i < npairs - 1)
        def _():
            wait_out(0)
            wait_idx(0)
            issue_in(2 * i + 2, 0)

        wait_in(1)
        acc = compute(1, acc)
        issue_out(2 * i + 1, 1)

        @pl.when(i < npairs - 1)
        def _():
            issue_idx(2 * i + 3, 1)

        return acc

    zero_acc = tuple(
        jnp.zeros((LANES,), jnp.float32) for _ in range(2 * (H // LANES))
    )
    acc = lax.fori_loop(0, npairs, pair_body, zero_acc)
    wait_out(0)
    wait_out(1)

    if need_e:
        for j in range(H // LANES):
            sum_v[pl.ds(j * LANES, LANES)] = acc[j]
            sq_v[pl.ds(j * LANES, LANES)] = acc[j + H // LANES]
        pltpu.sync_copy(sum_v, stats_hbm.at[0, pl.ds(wid * H, H)])
        pltpu.sync_copy(sq_v, stats_hbm.at[1, pl.ds(wid * H, H)])

    plsc.subcore_barrier()
    n = zeros_hbm.shape[0]
    stripe = ((n + NS - 1) // NS + 7) // 8 * 8
    tail = n - (NS - 1) * stripe

    @pl.when(s < NS - 1)
    def _copy_full():
        pltpu.sync_copy(
            agg_sh.at[pl.ds(s * stripe, stripe)],
            aggp_hbm.at[c, pl.ds(s * stripe, stripe)],
        )

    @pl.when(s == NS - 1)
    def _copy_tail():
        pltpu.sync_copy(
            agg_sh.at[pl.ds((NS - 1) * stripe, tail)],
            aggp_hbm.at[c, pl.ds((NS - 1) * stripe, tail)],
        )


@functools.partial(jax.jit, static_argnames=("need_e",))
def _sc_edge(ce, dh, eh, bh, src, dst, zeros, need_e):
    e_edges = ce.shape[0]
    n = dh.shape[0]
    assert e_edges % C == 0 and n % NS == 0
    nch = e_edges // C
    mesh = plsc.VectorSubcoreMesh(
        core_axis_name="c", subcore_axis_name="s", num_cores=NC,
        num_subcores=NS,
    )
    out_type = [
        jax.ShapeDtypeStruct((e_edges, H) if need_e else (1, H), jnp.float32),
        jax.ShapeDtypeStruct((2, NW * H) if need_e else (1, H), jnp.float32),
        jax.ShapeDtypeStruct((NC, n, H), jnp.float32),
    ]
    scratch = (
        [pltpu.VMEM((C,), jnp.int32),
         pltpu.VMEM((C,), jnp.int32),
         pltpu.VMEM((C, H), jnp.float32),
         pltpu.VMEM((C, H), jnp.float32),
         pltpu.VMEM((C, H), jnp.float32),
         pltpu.VMEM((C, H), jnp.float32)] * 2
        + [pltpu.VMEM((H,), jnp.float32),
           pltpu.VMEM((H,), jnp.float32),
           pltpu.VMEM_SHARED((n, H), jnp.float32)]
        + [pltpu.SemaphoreType.DMA] * 6
    )
    fn = pl.kernel(
        functools.partial(_sc_edge_body, need_e, nch),
        out_type=out_type,
        mesh=mesh,
        scratch_types=scratch,
    )
    return fn(ce, dh, eh, bh, src, dst, zeros)



def _edge_apply_mm_body(ne, stats_ref, g_ref, b_ref, e_ref, ehat_ref,
                        w_ref, cb_ref, o_ref):
    ssum = jnp.sum(stats_ref[0], axis=0)
    ssq = jnp.sum(stats_ref[1], axis=0)
    m = ssum / ne
    v = ssq / ne - m * m
    scale = g_ref[0] / jnp.sqrt(v + EPS)
    shift = b_ref[0] - m * scale
    x = e_ref[...].astype(jnp.float32) + jnp.maximum(
        ehat_ref[...] * scale + shift, 0.0)
    o_ref[...] = (
        jnp.dot(x, w_ref[...], preferred_element_type=jnp.float32)
        + cb_ref[...])


def _edge_apply_mm(stats, g, b, e, ehat, wt, cb, block_rows, ne):
    rows = e.shape[0]
    h2 = wt.shape[1]
    assert rows % block_rows == 0
    return pl.pallas_call(
        functools.partial(_edge_apply_mm_body, float(ne)),
        grid=(rows // block_rows,),
        in_specs=[
            pl.BlockSpec(stats.shape, lambda i: (0, 0, 0)),
            pl.BlockSpec((1, H), lambda i: (0, 0)),
            pl.BlockSpec((1, H), lambda i: (0, 0)),
            pl.BlockSpec((block_rows, H), lambda i: (i, 0)),
            pl.BlockSpec((block_rows, H), lambda i: (i, 0)),
            pl.BlockSpec((H, h2), lambda i: (0, 0)),
            pl.BlockSpec((1, h2), lambda i: (0, 0)),
        ],
        out_specs=pl.BlockSpec((block_rows, h2), lambda i: (i, 0)),
        out_shape=jax.ShapeDtypeStruct((rows, h2), jnp.float32),
    )(stats, g.reshape(1, -1), b.reshape(1, -1), e, ehat, wt,
      cb.reshape(1, -1))


def _node_apply_body(ah_ref, aggp_ref, h_ref, g_ref, b_ref, o_ref):
    x = ah_ref[...] + jnp.sum(aggp_ref[...], axis=0)
    m = jnp.mean(x, axis=0)
    v = jnp.mean(x * x, axis=0) - m * m
    o_ref[...] = h_ref[...] + jnp.maximum(
        (x - m) / jnp.sqrt(v + EPS) * g_ref[0] + b_ref[0], 0.0)


def _node_apply(ah, aggp, h, g, b):
    n = ah.shape[0]
    return pl.pallas_call(
        _node_apply_body,
        out_shape=jax.ShapeDtypeStruct((n, H), jnp.float32),
    )(ah, aggp, h, g.reshape(1, -1), b.reshape(1, -1))


def _final_body(h_ref, w1_ref, b1_ref, w2_ref, b2_ref, o_ref):
    m = jnp.mean(h_ref[...], axis=0, keepdims=True)
    y = jnp.maximum(
        jnp.dot(m, w1_ref[...], preferred_element_type=jnp.float32)
        + b1_ref[...], 0.0)
    o_ref[...] = (
        jnp.dot(y, w2_ref[...], preferred_element_type=jnp.float32)
        + b2_ref[...])


def _final(h, w1t, b1, w2t, b2):
    out = w2t.shape[1]
    return pl.pallas_call(
        _final_body,
        out_shape=jax.ShapeDtypeStruct((1, out), jnp.float32),
    )(h, w1t, b1.reshape(1, -1), w2t, b2.reshape(1, -1))



def kernel(h, edge_index, edge_attr, params):
    p = params
    n = h.shape[0]
    e_edges = edge_attr.shape[0]
    nblk = max(1, n // 5)
    num_layers = p['A_W'].shape[0]
    zeros = jnp.zeros((n, H), jnp.float32)

    gran = 2 * NW * C
    pa = (e_edges // 2 // gran) * gran
    bounds = [(0, pa), (pa, e_edges)]
    blks = []
    for a, b in bounds:
        bl = (b - a) // 64
        assert bl % 8 == 0 and (b - a) % bl == 0
        blks.append(bl)

    srcs = [edge_index[0][a:b] for a, b in bounds]
    dsts = [edge_index[1][a:b] for a, b in bounds]

    hh = _linear(h, p['node_W'].T, p['node_b'], nblk)
    es, ces = [], []
    for i, (a, b) in enumerate(bounds):
        e_i, ce_i = _linear2(edge_attr[a:b], p['edge_W'].T, p['edge_b'],
                             p['C_W'][0].T, p['C_b'][0], blks[i])
        es.append(e_i)
        ces.append(ce_i)

    prev = None
    for l in range(num_layers):
        ah = _linear(hh, p['A_W'][l].T, p['A_b'][l], nblk)
        dh = _linear(hh, p['D_W'][l].T, p['D_b'][l], nblk)
        eh = _linear(hh, p['E_W'][l].T, p['E_b'][l], nblk)
        bh = _linear(hh, p['B_W'][l].T, p['B_b'][l], nblk)
        if l > 0:
            sts, ehats = prev
            stats_c = jnp.concatenate(
                [s.reshape(2, NW, H) for s in sts], axis=1)
            ces = [_edge_apply_mm(stats_c, p['bn_edge_g'][l - 1],
                                  p['bn_edge_b'][l - 1], es[i], ehats[i],
                                  p['C_W'][l].T, p['C_b'][l], blks[i],
                                  ne=e_edges)
                   for i in range(len(bounds))]
        need_e = l < num_layers - 1
        res = [_sc_edge(ces[i], dh, eh, bh, srcs[i], dsts[i], zeros,
                        need_e=need_e)
               for i in range(len(bounds))]
        prev = ([r[1] for r in res], [r[0] for r in res])
        aggp = jnp.concatenate([r[2] for r in res], axis=0)
        hh = _node_apply(ah, aggp, hh, p['bn_node_g'][l], p['bn_node_b'][l])

    return _final(hh, p['cls_W1'].T, p['cls_b1'], p['cls_W2'].T, p['cls_b2'])

# --- scband reference (transcript-rebuilt; emitter-appended) ---
"""Pipeline reference for scband-gated-gcn-87393994539142 (READ-ONLY COPY).

The authoritative reference and input builder live on the scoring server;
editing this copy changes nothing except your own understanding.
"""

import jax, jax.numpy as jnp
import numpy as np

N = 10000
E = 320000
DN = 128
DE = 16
H = 128
L = 2
OUT = 10
EPS = 1e-5


def setup_inputs(seed: int = 0) -> dict:
    key = jax.random.key(seed)
    ks = jax.random.split(key, 16)
    h = jax.random.normal(ks[0], (N, DN), dtype=jnp.float32)
    edge_index = jax.random.randint(ks[1], (2, E), 0, N, dtype=jnp.int32)
    edge_attr = jax.random.normal(ks[2], (E, DE), dtype=jnp.float32)
    s = 0.05
    params = {
        'node_W': s * jax.random.normal(ks[3], (H, DN), dtype=jnp.float32),
        'node_b': jnp.zeros((H,), jnp.float32),
        'edge_W': s * jax.random.normal(ks[4], (H, DE), dtype=jnp.float32),
        'edge_b': jnp.zeros((H,), jnp.float32),
        'cls_W1': s * jax.random.normal(ks[5], (H, H), dtype=jnp.float32),
        'cls_b1': jnp.zeros((H,), jnp.float32),
        'cls_W2': s * jax.random.normal(ks[6], (OUT, H), dtype=jnp.float32),
        'cls_b2': jnp.zeros((OUT,), jnp.float32),
    }
    for i, nm in enumerate(['A', 'B', 'C', 'D', 'E']):
        params[nm + '_W'] = s * jax.random.normal(ks[7 + i], (L, H, H), dtype=jnp.float32)
        params[nm + '_b'] = jnp.zeros((L, H), jnp.float32)
    params['bn_node_g'] = jnp.ones((L, H), jnp.float32)
    params['bn_node_b'] = jnp.zeros((L, H), jnp.float32)
    params['bn_edge_g'] = jnp.ones((L, H), jnp.float32)
    params['bn_edge_b'] = jnp.zeros((L, H), jnp.float32)
    return {'h': h, 'edge_index': edge_index, 'edge_attr': edge_attr, 'params': params}


def _bn(x, g, b):
    m = jnp.mean(x, axis=0)
    v = jnp.var(x, axis=0)
    return (x - m) / jnp.sqrt(v + EPS) * g + b


def _forward(h, edge_attr, params, edge_index):
    p = params
    h = h @ p['node_W'].T + p['node_b']
    e = edge_attr @ p['edge_W'].T + p['edge_b']
    src = edge_index[0]
    dst = edge_index[1]
    for l in range(L):
        Ah = h @ p['A_W'][l].T + p['A_b'][l]
        Bh = h @ p['B_W'][l].T + p['B_b'][l]
        Dh = h @ p['D_W'][l].T + p['D_b'][l]
        Eh = h @ p['E_W'][l].T + p['E_b'][l]
        Ce = e @ p['C_W'][l].T + p['C_b'][l]
        e_hat = Ce + jnp.take(Dh, dst, axis=0) + jnp.take(Eh, src, axis=0)
        sigma = jax.nn.sigmoid(e_hat)
        e_out = jax.nn.relu(_bn(e_hat, p['bn_edge_g'][l], p['bn_edge_b'][l]))
        e = e + e_out
        msg = sigma * jnp.take(Bh, src, axis=0)
        agg = jax.ops.segment_sum(msg, dst, num_segments=N)
        h_out = jax.nn.relu(_bn(Ah + agg, p['bn_node_g'][l], p['bn_node_b'][l]))
        h = h + h_out
    out = jnp.mean(h, axis=0, keepdims=True)
    out = jax.nn.relu(out @ p['cls_W1'].T + p['cls_b1'])
    out = out @ p['cls_W2'].T + p['cls_b2']
    return out


def reference(h, edge_index, edge_attr, params):
    return _forward(h, edge_attr, params, edge_index)

if __name__ == "__main__":
    import jax
    _d = setup_inputs()
    print(jax.jit(kernel)(*tuple(_d.values())))

</pallas_src>

<mosaic_0001>
#map = affine_map<(d0, d1) -> (0, 0)>
#map1 = affine_map<(d0, d1) -> (0)>
#map2 = affine_map<(d0, d1) -> (0, 0, 0)>
module attributes {stable_mosaic.version = 14 : i64} {
  func.func @_sc_edge_body(%arg0: i32, %arg1: i32, %arg2: memref<158720x128xf32, #tpu.memory_space<hbm>>, %arg3: memref<10000x128xf32, #tpu.memory_space<hbm>>, %arg4: memref<10000x128xf32, #tpu.memory_space<hbm>>, %arg5: memref<10000x128xf32, #tpu.memory_space<hbm>>, %arg6: memref<158720xi32, #tpu.memory_space<hbm>>, %arg7: memref<158720xi32, #tpu.memory_space<hbm>>, %arg8: memref<10000x128xf32, #tpu.memory_space<hbm>>, %arg9: memref<158720x128xf32, #tpu.memory_space<hbm>>, %arg10: memref<2x4096xf32, #tpu.memory_space<hbm>>, %arg11: memref<2x10000x128xf32, #tpu.memory_space<hbm>>, %arg12: memref<40xi32, #tpu.memory_space<vmem>>, %arg13: memref<40xi32, #tpu.memory_space<vmem>>, %arg14: memref<40x128xf32, #tpu.memory_space<vmem>>, %arg15: memref<40x128xf32, #tpu.memory_space<vmem>>, %arg16: memref<40x128xf32, #tpu.memory_space<vmem>>, %arg17: memref<40x128xf32, #tpu.memory_space<vmem>>, %arg18: memref<40xi32, #tpu.memory_space<vmem>>, %arg19: memref<40xi32, #tpu.memory_space<vmem>>, %arg20: memref<40x128xf32, #tpu.memory_space<vmem>>, %arg21: memref<40x128xf32, #tpu.memory_space<vmem>>, %arg22: memref<40x128xf32, #tpu.memory_space<vmem>>, %arg23: memref<40x128xf32, #tpu.memory_space<vmem>>, %arg24: memref<128xf32, #tpu.memory_space<vmem>>, %arg25: memref<128xf32, #tpu.memory_space<vmem>>, %arg26: memref<10000x128xf32, #tpu.memory_space<vmem_shared>>, %arg27: memref<!tpu.dma_semaphore, #tpu.memory_space<semaphore_mem>>, %arg28: memref<!tpu.dma_semaphore, #tpu.memory_space<semaphore_mem>>, %arg29: memref<!tpu.dma_semaphore, #tpu.memory_space<semaphore_mem>>, %arg30: memref<!tpu.dma_semaphore, #tpu.memory_space<semaphore_mem>>, %arg31: memref<!tpu.dma_semaphore, #tpu.memory_space<semaphore_mem>>, %arg32: memref<!tpu.dma_semaphore, #tpu.memory_space<semaphore_mem>>) attributes {dimension_semantics = [#tpu.dimension_semantics<core_parallel>, #tpu.dimension_semantics<subcore_parallel>], iteration_bounds = array<i64: 2, 16>, scalar_prefetch = 0 : i64, scratch_operands = 21 : i64, tpu.core_type = #tpu.core_type<sc_vector_subcore>, window_params = [{transform_indices = #map}, {transform_indices = #map}, {transform_indices = #map}, {transform_indices = #map}, {transform_indices = #map1}, {transform_indices = #map1}, {transform_indices = #map}, {transform_indices = #map}, {transform_indices = #map}, {transform_indices = #map2}]} {
    %mul3A = arith.constant 2 : i32
    %mul3A_0 = arith.muli %arg1, %mul3A : i32
    %add3A = arith.addi %mul3A_0, %arg0 : i32
    %eq3A = arith.constant 0 : i32
    %eq3A_1 = arith.cmpi eq, %arg1, %eq3A : i32
    %convert_element_type3A = arith.extui %eq3A_1 : i1 to i32
    %cond3A = arith.constant 0 : i32
    %cond3A_2 = arith.cmpi ne, %convert_element_type3A, %cond3A : i32
    scf.if %cond3A_2 {
      "tpu.region"() ({
        %run_scoped3A_168 = tpu.sem_alloc : memref<!tpu.dma_semaphore, #tpu.memory_space<semaphore_mem>>
        tpu.enqueue_dma source(%arg8 : memref<10000x128xf32, #tpu.memory_space<hbm>>) target(%arg26 : memref<10000x128xf32, #tpu.memory_space<vmem_shared>>) target_semaphore(%run_scoped3A_168 : memref<!tpu.dma_semaphore, #tpu.memory_space<semaphore_mem>>)
        tpu.wait_dma2 semaphore(%run_scoped3A_168 : memref<!tpu.dma_semaphore, #tpu.memory_space<semaphore_mem>>) src(%arg8 : memref<10000x128xf32, #tpu.memory_space<hbm>>) dst(%arg26 : memref<10000x128xf32, #tpu.memory_space<vmem_shared>>)
        tpu.yield
      }) : () -> ()
    } else {
    }
    %barrier3A = arith.constant 0 : index
    tpu.barrier barrier_id(%barrier3A)
    %add3A_3 = arith.constant 0 : i32
    %add3A_4 = arith.addi %add3A, %add3A_3 : i32
    %mul3A_5 = arith.constant 40 : i32
    %mul3A_6 = arith.muli %add3A_4, %mul3A_5 : i32
    %dma_start3A = tpu.memref_slice %arg6[%mul3A_6] : memref<158720xi32, #tpu.memory_space<hbm>> -> memref<40xi32, #tpu.memory_space<hbm>>
    %dma_start3A_7 = tpu.memref_slice %arg6[%mul3A_6] : memref<158720xi32, #tpu.memory_space<hbm>> -> memref<40xi32, #tpu.memory_space<hbm>>
    tpu.enqueue_dma source(%dma_start3A_7 : memref<40xi32, #tpu.memory_space<hbm>>) target(%arg12 : memref<40xi32, #tpu.memory_space<vmem>>) target_semaphore(%arg27 : memref<!tpu.dma_semaphore, #tpu.memory_space<semaphore_mem>>)
    %dma_start3A_8 = tpu.memref_slice %arg7[%mul3A_6] : memref<158720xi32, #tpu.memory_space<hbm>> -> memref<40xi32, #tpu.memory_space<hbm>>
    %dma_start3A_9 = tpu.memref_slice %arg7[%mul3A_6] : memref<158720xi32, #tpu.memory_space<hbm>> -> memref<40xi32, #tpu.memory_space<hbm>>
    tpu.enqueue_dma source(%dma_start3A_9 : memref<40xi32, #tpu.memory_space<hbm>>) target(%arg13 : memref<40xi32, #tpu.memory_space<vmem>>) target_semaphore(%arg27 : memref<!tpu.dma_semaphore, #tpu.memory_space<semaphore_mem>>)
    %add3A_10 = arith.constant 32 : i32
    %add3A_11 = arith.addi %add3A, %add3A_10 : i32
    %mul3A_12 = arith.constant 40 : i32
    %mul3A_13 = arith.muli %add3A_11, %mul3A_12 : i32
    %dma_start3A_14 = tpu.memref_slice %arg6[%mul3A_13] : memref<158720xi32, #tpu.memory_space<hbm>> -> memref<40xi32, #tpu.memory_space<hbm>>
    %dma_start3A_15 = tpu.memref_slice %arg6[%mul3A_13] : memref<158720xi32, #tpu.memory_space<hbm>> -> memref<40xi32, #tpu.memory_space<hbm>>
    tpu.enqueue_dma source(%dma_start3A_15 : memref<40xi32, #tpu.memory_space<hbm>>) target(%arg18 : memref<40xi32, #tpu.memory_space<vmem>>) target_semaphore(%arg28 : memref<!tpu.dma_semaphore, #tpu.memory_space<semaphore_mem>>)
    %dma_start3A_16 = tpu.memref_slice %arg7[%mul3A_13] : memref<158720xi32, #tpu.memory_space<hbm>> -> memref<40xi32, #tpu.memory_space<hbm>>
    %dma_start3A_17 = tpu.memref_slice %arg7[%mul3A_13] : memref<158720xi32, #tpu.memory_space<hbm>> -> memref<40xi32, #tpu.memory_space<hbm>>
    tpu.enqueue_dma source(%dma_start3A_17 : memref<40xi32, #tpu.memory_space<hbm>>) target(%arg19 : memref<40xi32, #tpu.memory_space<vmem>>) target_semaphore(%arg28 : memref<!tpu.dma_semaphore, #tpu.memory_space<semaphore_mem>>)
    %dma_wait3A = arith.constant 0 : i32
    %dma_wait3A_18 = tpu.memref_slice %arg6[%dma_wait3A] : memref<158720xi32, #tpu.memory_space<hbm>> -> memref<40xi32, #tpu.memory_space<hbm>>
    %dma_wait3A_19 = arith.constant 0 : i32
    %dma_wait3A_20 = tpu.memref_slice %arg6[%dma_wait3A_19] : memref<158720xi32, #tpu.memory_space<hbm>> -> memref<40xi32, #tpu.memory_space<hbm>>
    tpu.wait_dma2 semaphore(%arg27 : memref<!tpu.dma_semaphore, #tpu.memory_space<semaphore_mem>>) src(%dma_wait3A_20 : memref<40xi32, #tpu.memory_space<hbm>>) dst(%arg12 : memref<40xi32, #tpu.memory_space<vmem>>)
    %dma_wait3A_21 = arith.constant 0 : i32
    %dma_wait3A_22 = tpu.memref_slice %arg7[%dma_wait3A_21] : memref<158720xi32, #tpu.memory_space<hbm>> -> memref<40xi32, #tpu.memory_space<hbm>>
    %dma_wait3A_23 = arith.constant 0 : i32
    %dma_wait3A_24 = tpu.memref_slice %arg7[%dma_wait3A_23] : memref<158720xi32, #tpu.memory_space<hbm>> -> memref<40xi32, #tpu.memory_space<hbm>>
    tpu.wait_dma2 semaphore(%arg27 : memref<!tpu.dma_semaphore, #tpu.memory_space<semaphore_mem>>) src(%dma_wait3A_24 : memref<40xi32, #tpu.memory_space<hbm>>) dst(%arg13 : memref<40xi32, #tpu.memory_space<vmem>>)
    %add3A_25 = arith.constant 0 : i32
    %add3A_26 = arith.addi %add3A, %add3A_25 : i32
    %mul3A_27 = arith.constant 40 : i32
    %mul3A_28 = arith.muli %add3A_26, %mul3A_27 : i32
    %dma_start3A_29 = arith.constant 0 : i32
    %dma_start3A_30 = tpu.memref_slice %arg2[%mul3A_28, %dma_start3A_29] : memref<158720x128xf32, #tpu.memory_space<hbm>> -> memref<40x128xf32, #tpu.memory_space<hbm>>
    %dma_start3A_31 = arith.constant 0 : i32
    %dma_start3A_32 = tpu.memref_slice %arg2[%mul3A_28, %dma_start3A_31] : memref<158720x128xf32, #tpu.memory_space<hbm>> -> memref<40x128xf32, #tpu.memory_space<hbm>>
    tpu.enqueue_dma source(%dma_start3A_32 : memref<40x128xf32, #tpu.memory_space<hbm>>) target(%arg14 : memref<40x128xf32, #tpu.memory_space<vmem>>) target_semaphore(%arg29 : memref<!tpu.dma_semaphore, #tpu.memory_space<semaphore_mem>>)
    %dma_start3A_33 = arith.constant 0 : i32
    %dma_start3A_34 = arith.constant 0 : i32
    %dma_start3A_35 = tpu.memref_slice %arg3[%dma_start3A_33, %dma_start3A_34] : memref<10000x128xf32, #tpu.memory_space<hbm>> -> memref<10000x128xf32, #tpu.memory_space<hbm>>
    tpu.enqueue_indirect_dma source(%dma_start3A_35 : memref<10000x128xf32, #tpu.memory_space<hbm>>) target(%arg15 : memref<40x128xf32, #tpu.memory_space<vmem>>) offsets(%arg13 : memref<40xi32, #tpu.memory_space<vmem>>) semaphore(%arg29 : memref<!tpu.dma_semaphore, #tpu.memory_space<semaphore_mem>>)
    %dma_start3A_36 = arith.constant 0 : i32
    %dma_start3A_37 = arith.constant 0 : i32
    %dma_start3A_38 = tpu.memref_slice %arg4[%dma_start3A_36, %dma_start3A_37] : memref<10000x128xf32, #tpu.memory_space<hbm>> -> memref<10000x128xf32, #tpu.memory_space<hbm>>
    tpu.enqueue_indirect_dma source(%dma_start3A_38 : memref<10000x128xf32, #tpu.memory_space<hbm>>) target(%arg16 : memref<40x128xf32, #tpu.memory_space<vmem>>) offsets(%arg12 : memref<40xi32, #tpu.memory_space<vmem>>) semaphore(%arg29 : memref<!tpu.dma_semaphore, #tpu.memory_space<semaphore_mem>>)
    %dma_start3A_39 = arith.constant 0 : i32
    %dma_start3A_40 = arith.constant 0 : i32
    %dma_start3A_41 = tpu.memref_slice %arg5[%dma_start3A_39, %dma_start3A_40] : memref<10000x128xf32, #tpu.memory_space<hbm>> -> memref<10000x128xf32, #tpu.memory_space<hbm>>
    tpu.enqueue_indirect_dma source(%dma_start3A_41 : memref<10000x128xf32, #tpu.memory_space<hbm>>) target(%arg17 : memref<40x128xf32, #tpu.memory_space<vmem>>) offsets(%arg12 : memref<40xi32, #tpu.memory_space<vmem>>) semaphore(%arg29 : memref<!tpu.dma_semaphore, #tpu.memory_space<semaphore_mem>>)
    %broadcast_in_dim3A = arith.constant 0.000000e+00 : f32
    %broadcast_in_dim3A_42 = vector.broadcast %broadcast_in_dim3A : f32 to vector<16xf32>
    %broadcast_in_dim3A_43 = arith.constant 0.000000e+00 : f32
    %broadcast_in_dim3A_44 = vector.broadcast %broadcast_in_dim3A_43 : f32 to vector<16xf32>
    %broadcast_in_dim3A_45 = arith.constant 0.000000e+00 : f32
    %broadcast_in_dim3A_46 = vector.broadcast %broadcast_in_dim3A_45 : f32 to vector<16xf32>
    %broadcast_in_dim3A_47 = arith.constant 0.000000e+00 : f32
    %broadcast_in_dim3A_48 = vector.broadcast %broadcast_in_dim3A_47 : f32 to vector<16xf32>
    %broadcast_in_dim3A_49 = arith.constant 0.000000e+00 : f32
    %broadcast_in_dim3A_50 = vector.broadcast %broadcast_in_dim3A_49 : f32 to vector<16xf32>
    %broadcast_in_dim3A_51 = arith.constant 0.000000e+00 : f32
    %broadcast_in_dim3A_52 = vector.broadcast %broadcast_in_dim3A_51 : f32 to vector<16xf32>
    %broadcast_in_dim3A_53 = arith.constant 0.000000e+00 : f32
    %broadcast_in_dim3A_54 = vector.broadcast %broadcast_in_dim3A_53 : f32 to vector<16xf32>
    %broadcast_in_dim3A_55 = arith.constant 0.000000e+00 : f32
    %broadcast_in_dim3A_56 = vector.broadcast %broadcast_in_dim3A_55 : f32 to vector<16xf32>
    %broadcast_in_dim3A_57 = arith.constant 0.000000e+00 : f32
    %broadcast_in_dim3A_58 = vector.broadcast %broadcast_in_dim3A_57 : f32 to vector<16xf32>
    %broadcast_in_dim3A_59 = arith.constant 0.000000e+00 : f32
    %broadcast_in_dim3A_60 = vector.broadcast %broadcast_in_dim3A_59 : f32 to vector<16xf32>
    %broadcast_in_dim3A_61 = arith.constant 0.000000e+00 : f32
    %broadcast_in_dim3A_62 = vector.broadcast %broadcast_in_dim3A_61 : f32 to vector<16xf32>
    %broadcast_in_dim3A_63 = arith.constant 0.000000e+00 : f32
    %broadcast_in_dim3A_64 = vector.broadcast %broadcast_in_dim3A_63 : f32 to vector<16xf32>
    %broadcast_in_dim3A_65 = arith.constant 0.000000e+00 : f32
    %broadcast_in_dim3A_66 = vector.broadcast %broadcast_in_dim3A_65 : f32 to vector<16xf32>
    %broadcast_in_dim3A_67 = arith.constant 0.000000e+00 : f32
    %broadcast_in_dim3A_68 = vector.broadcast %broadcast_in_dim3A_67 : f32 to vector<16xf32>
    %broadcast_in_dim3A_69 = arith.constant 0.000000e+00 : f32
    %broadcast_in_dim3A_70 = vector.broadcast %broadcast_in_dim3A_69 : f32 to vector<16xf32>
    %broadcast_in_dim3A_71 = arith.constant 0.000000e+00 : f32
    %broadcast_in_dim3A_72 = vector.broadcast %broadcast_in_dim3A_71 : f32 to vector<16xf32>
    %scan3A = arith.constant 0 : i32
    %scan3A_73 = arith.constant 62 : i32
    %scan3A_74 = arith.addi %scan3A, %scan3A_73 : i32
    %scan3A_75 = arith.constant 1 : i32
    %scan3A_76:16 = scf.for %scan3A_168 = %scan3A to %scan3A_74 step %scan3A_75 iter_args(%scan3A_169 = %broadcast_in_dim3A_42, %scan3A_170 = %broadcast_in_dim3A_44, %scan3A_171 = %broadcast_in_dim3A_46, %scan3A_172 = %broadcast_in_dim3A_48, %scan3A_173 = %broadcast_in_dim3A_50, %scan3A_174 = %broadcast_in_dim3A_52, %scan3A_175 = %broadcast_in_dim3A_54, %scan3A_176 = %broadcast_in_dim3A_56, %scan3A_177 = %broadcast_in_dim3A_58, %scan3A_178 = %broadcast_in_dim3A_60, %scan3A_179 = %broadcast_in_dim3A_62, %scan3A_180 = %broadcast_in_dim3A_64, %scan3A_181 = %broadcast_in_dim3A_66, %scan3A_182 = %broadcast_in_dim3A_68, %scan3A_183 = %broadcast_in_dim3A_70, %scan3A_184 = %broadcast_in_dim3A_72) -> (vector<16xf32>, vector<16xf32>, vector<16xf32>, vector<16xf32>, vector<16xf32>, vector<16xf32>, vector<16xf32>, vector<16xf32>, vector<16xf32>, vector<16xf32>, vector<16xf32>, vector<16xf32>, vector<16xf32>, vector<16xf32>, vector<16xf32>, vector<16xf32>)  : i32 {
      %gt3A = arith.constant 0 : i32
      %gt3A_185 = arith.cmpi sgt, %scan3A_168, %gt3A : i32
      %convert_element_type3A_186 = arith.extui %gt3A_185 : i1 to i32
      %cond3A_187 = arith.constant 0 : i32
      %cond3A_188 = arith.cmpi ne, %convert_element_type3A_186, %cond3A_187 : i32
      scf.if %cond3A_188 {
        %dma_wait3A_300 = arith.constant 0 : i32
        %dma_wait3A_301 = arith.constant 0 : i32
        %dma_wait3A_302 = tpu.memref_slice %arg9[%dma_wait3A_300, %dma_wait3A_301] : memref<158720x128xf32, #tpu.memory_space<hbm>> -> memref<40x128xf32, #tpu.memory_space<hbm>>
        %dma_wait3A_303 = arith.constant 0 : i32
        %dma_wait3A_304 = arith.constant 0 : i32
        %dma_wait3A_305 = tpu.memref_slice %arg9[%dma_wait3A_303, %dma_wait3A_304] : memref<158720x128xf32, #tpu.memory_space<hbm>> -> memref<40x128xf32, #tpu.memory_space<hbm>>
        tpu.wait_dma2 semaphore(%arg32 : memref<!tpu.dma_semaphore, #tpu.memory_space<semaphore_mem>>) src(%arg20 : memref<40x128xf32, #tpu.memory_space<vmem>>) dst(%dma_wait3A_305 : memref<40x128xf32, #tpu.memory_space<hbm>>)
      } else {
      }
      %dma_wait3A_189 = arith.constant 0 : i32
      %dma_wait3A_190 = tpu.memref_slice %arg6[%dma_wait3A_189] : memref<158720xi32, #tpu.memory_space<hbm>> -> memref<40xi32, #tpu.memory_space<hbm>>
      %dma_wait3A_191 = arith.constant 0 : i32
      %dma_wait3A_192 = tpu.memref_slice %arg6[%dma_wait3A_191] : memref<158720xi32, #tpu.memory_space<hbm>> -> memref<40xi32, #tpu.memory_space<hbm>>
      tpu.wait_dma2 semaphore(%arg28 : memref<!tpu.dma_semaphore, #tpu.memory_space<semaphore_mem>>) src(%dma_wait3A_192 : memref<40xi32, #tpu.memory_space<hbm>>) dst(%arg18 : memref<40xi32, #tpu.memory_space<vmem>>)
      %dma_wait3A_193 = arith.constant 0 : i32
      %dma_wait3A_194 = tpu.memref_slice %arg7[%dma_wait3A_193] : memref<158720xi32, #tpu.memory_space<hbm>> -> memref<40xi32, #tpu.memory_space<hbm>>
      %dma_wait3A_195 = arith.constant 0 : i32
      %dma_wait3A_196 = tpu.memref_slice %arg7[%dma_wait3A_195] : memref<158720xi32, #tpu.memory_space<hbm>> -> memref<40xi32, #tpu.memory_space<hbm>>
      tpu.wait_dma2 semaphore(%arg28 : memref<!tpu.dma_semaphore, #tpu.memory_space<semaphore_mem>>) src(%dma_wait3A_196 : memref<40xi32, #tpu.memory_space<hbm>>) dst(%arg19 : memref<40xi32, #tpu.memory_space<vmem>>)
      %mul3A_197 = arith.constant 2 : i32
      %mul3A_198 = arith.muli %mul3A_197, %scan3A_168 : i32
      %add3A_199 = arith.constant 1 : i32
      %add3A_200 = arith.addi %mul3A_198, %add3A_199 : i32
      %mul3A_201 = arith.constant 32 : i32
      %mul3A_202 = arith.muli %add3A_200, %mul3A_201 : i32
      %add3A_203 = arith.addi %add3A, %mul3A_202 : i32
      %mul3A_204 = arith.constant 40 : i32
      %mul3A_205 = arith.muli %add3A_203, %mul3A_204 : i32
      %dma_start3A_206 = arith.constant 0 : i32
      %dma_start3A_207 = tpu.memref_slice %arg2[%mul3A_205, %dma_start3A_206] : memref<158720x128xf32, #tpu.memory_space<hbm>> -> memref<40x128xf32, #tpu.memory_space<hbm>>
      %dma_start3A_208 = arith.constant 0 : i32
      %dma_start3A_209 = tpu.memref_slice %arg2[%mul3A_205, %dma_start3A_208] : memref<158720x128xf32, #tpu.memory_space<hbm>> -> memref<40x128xf32, #tpu.memory_space<hbm>>
      tpu.enqueue_dma source(%dma_start3A_209 : memref<40x128xf32, #tpu.memory_space<hbm>>) target(%arg20 : memref<40x128xf32, #tpu.memory_space<vmem>>) target_semaphore(%arg30 : memref<!tpu.dma_semaphore, #tpu.memory_space<semaphore_mem>>)
      %dma_start3A_210 = arith.constant 0 : i32
      %dma_start3A_211 = arith.constant 0 : i32
      %dma_start3A_212 = tpu.memref_slice %arg3[%dma_start3A_210, %dma_start3A_211] : memref<10000x128xf32, #tpu.memory_space<hbm>> -> memref<10000x128xf32, #tpu.memory_space<hbm>>
      tpu.enqueue_indirect_dma source(%dma_start3A_212 : memref<10000x128xf32, #tpu.memory_space<hbm>>) target(%arg21 : memref<40x128xf32, #tpu.memory_space<vmem>>) offsets(%arg19 : memref<40xi32, #tpu.memory_space<vmem>>) semaphore(%arg30 : memref<!tpu.dma_semaphore, #tpu.memory_space<semaphore_mem>>)
      %dma_start3A_213 = arith.constant 0 : i32
      %dma_start3A_214 = arith.constant 0 : i32
      %dma_start3A_215 = tpu.memref_slice %arg4[%dma_start3A_213, %dma_start3A_214] : memref<10000x128xf32, #tpu.memory_space<hbm>> -> memref<10000x128xf32, #tpu.memory_space<hbm>>
      tpu.enqueue_indirect_dma source(%dma_start3A_215 : memref<10000x128xf32, #tpu.memory_space<hbm>>) target(%arg22 : memref<40x128xf32, #tpu.memory_space<vmem>>) offsets(%arg18 : memref<40xi32, #tpu.memory_space<vmem>>) semaphore(%arg30 : memref<!tpu.dma_semaphore, #tpu.memory_space<semaphore_mem>>)
      %dma_start3A_216 = arith.constant 0 : i32
      %dma_start3A_217 = arith.constant 0 : i32
      %dma_start3A_218 = tpu.memref_slice %arg5[%dma_start3A_216, %dma_start3A_217] : memref<10000x128xf32, #tpu.memory_space<hbm>> -> memref<10000x128xf32, #tpu.memory_space<hbm>>
      tpu.enqueue_indirect_dma source(%dma_start3A_218 : memref<10000x128xf32, #tpu.memory_space<hbm>>) target(%arg23 : memref<40x128xf32, #tpu.memory_space<vmem>>) offsets(%arg18 : memref<40xi32, #tpu.memory_space<vmem>>) semaphore(%arg30 : memref<!tpu.dma_semaphore, #tpu.memory_space<semaphore_mem>>)
      %dma_wait3A_219 = arith.constant 0 : i32
      %dma_wait3A_220 = arith.constant 0 : i32
      %dma_wait3A_221 = tpu.memref_slice %arg2[%dma_wait3A_219, %dma_wait3A_220] : memref<158720x128xf32, #tpu.memory_space<hbm>> -> memref<40x128xf32, #tpu.memory_space<hbm>>
      %dma_wait3A_222 = arith.constant 0 : i32
      %dma_wait3A_223 = arith.constant 0 : i32
      %dma_wait3A_224 = tpu.memref_slice %arg2[%dma_wait3A_222, %dma_wait3A_223] : memref<158720x128xf32, #tpu.memory_space<hbm>> -> memref<40x128xf32, #tpu.memory_space<hbm>>
      tpu.wait_dma2 semaphore(%arg29 : memref<!tpu.dma_semaphore, #tpu.memory_space<semaphore_mem>>) src(%dma_wait3A_224 : memref<40x128xf32, #tpu.memory_space<hbm>>) dst(%arg14 : memref<40x128xf32, #tpu.memory_space<vmem>>)
      %dma_wait3A_225 = arith.constant 0 : i32
      %dma_wait3A_226 = arith.constant 0 : i32
      %dma_wait3A_227 = tpu.memref_slice %arg3[%dma_wait3A_225, %dma_wait3A_226] : memref<10000x128xf32, #tpu.memory_space<hbm>> -> memref<10000x128xf32, #tpu.memory_space<hbm>>
      tpu.wait_indirect_dma semaphore(%arg29 : memref<!tpu.dma_semaphore, #tpu.memory_space<semaphore_mem>>) src(%dma_wait3A_227 : memref<10000x128xf32, #tpu.memory_space<hbm>>) dst(%arg15 : memref<40x128xf32, #tpu.memory_space<vmem>>)
      %dma_wait3A_228 = arith.constant 0 : i32
      %dma_wait3A_229 = arith.constant 0 : i32
      %dma_wait3A_230 = tpu.memref_slice %arg4[%dma_wait3A_228, %dma_wait3A_229] : memref<10000x128xf32, #tpu.memory_space<hbm>> -> memref<10000x128xf32, #tpu.memory_space<hbm>>
      tpu.wait_indirect_dma semaphore(%arg29 : memref<!tpu.dma_semaphore, #tpu.memory_space<semaphore_mem>>) src(%dma_wait3A_230 : memref<10000x128xf32, #tpu.memory_space<hbm>>) dst(%arg16 : memref<40x128xf32, #tpu.memory_space<vmem>>)
      %dma_wait3A_231 = arith.constant 0 : i32
      %dma_wait3A_232 = arith.constant 0 : i32
      %dma_wait3A_233 = tpu.memref_slice %arg5[%dma_wait3A_231, %dma_wait3A_232] : memref<10000x128xf32, #tpu.memory_space<hbm>> -> memref<10000x128xf32, #tpu.memory_space<hbm>>
      tpu.wait_indirect_dma semaphore(%arg29 : memref<!tpu.dma_semaphore, #tpu.memory_space<semaphore_mem>>) src(%dma_wait3A_233 : memref<10000x128xf32, #tpu.memory_space<hbm>>) dst(%arg17 : memref<40x128xf32, #tpu.memory_space<vmem>>)
      %scan3A_234 = arith.constant 0 : i32
      %scan3A_235 = arith.constant 40 : i32
      %scan3A_236 = arith.addi %scan3A_234, %scan3A_235 : i32
      %scan3A_237 = arith.constant 1 : i32
      %scan3A_238:16 = scf.for %scan3A_300 = %scan3A_234 to %scan3A_236 step %scan3A_237 iter_args(%scan3A_301 = %scan3A_169, %scan3A_302 = %scan3A_170, %scan3A_303 = %scan3A_171, %scan3A_304 = %scan3A_172, %scan3A_305 = %scan3A_173, %scan3A_306 = %scan3A_174, %scan3A_307 = %scan3A_175, %scan3A_308 = %scan3A_176, %scan3A_309 = %scan3A_177, %scan3A_310 = %scan3A_178, %scan3A_311 = %scan3A_179, %scan3A_312 = %scan3A_180, %scan3A_313 = %scan3A_181, %scan3A_314 = %scan3A_182, %scan3A_315 = %scan3A_183, %scan3A_316 = %scan3A_184) -> (vector<16xf32>, vector<16xf32>, vector<16xf32>, vector<16xf32>, vector<16xf32>, vector<16xf32>, vector<16xf32>, vector<16xf32>, vector<16xf32>, vector<16xf32>, vector<16xf32>, vector<16xf32>, vector<16xf32>, vector<16xf32>, vector<16xf32>, vector<16xf32>)  : i32 {
        %get3A = arith.index_cast %scan3A_300 : i32 to index
        %get3A_317 = arith.constant 0 : index
        %get3A_318 = tpu.vector_load %arg14[%get3A, %get3A_317] {strides = array<i32>} : memref<40x128xf32, #tpu.memory_space<vmem>>, vector<1x16xf32>,
        %get3A_319 = vector.shape_cast %get3A_318 : vector<1x16xf32> to vector<16xf32>
        %get3A_320 = arith.index_cast %scan3A_300 : i32 to index
        %get3A_321 = arith.constant 0 : index
        %get3A_322 = tpu.vector_load %arg15[%get3A_320, %get3A_321] {strides = array<i32>} : memref<40x128xf32, #tpu.memory_space<vmem>>, vector<1x16xf32>,
        %get3A_323 = vector.shape_cast %get3A_322 : vector<1x16xf32> to vector<16xf32>
        %add3A_324 = arith.addf %get3A_319, %get3A_323 : vector<16xf32>
        %get3A_325 = arith.index_cast %scan3A_300 : i32 to index
        %get3A_326 = arith.constant 0 : index
        %get3A_327 = tpu.vector_load %arg16[%get3A_325, %get3A_326] {strides = array<i32>} : memref<40x128xf32, #tpu.memory_space<vmem>>, vector<1x16xf32>,
        %get3A_328 = vector.shape_cast %get3A_327 : vector<1x16xf32> to vector<16xf32>
        %add3A_329 = arith.addf %add3A_324, %get3A_328 : vector<16xf32>
        %neg3A = arith.constant 0.000000e+00 : f32
        %neg3A_330 = vector.broadcast %neg3A : f32 to vector<16xf32>
        %neg3A_331 = arith.subf %neg3A_330, %add3A_329 : vector<16xf32>
        %exp3A = math.exp %neg3A_331 : vector<16xf32>
        %add3A_332 = arith.constant 1.000000e+00 : f32
        %add3A_333 = vector.broadcast %add3A_332 : f32 to vector<16xf32>
        %add3A_334 = arith.addf %add3A_333, %exp3A : vector<16xf32>
        %div3A = arith.constant 1.000000e+00 : f32
        %div3A_335 = vector.broadcast %div3A : f32 to vector<16xf32>
        %div3A_336 = arith.divf %div3A_335, %add3A_334 : vector<16xf32>
        %get3A_337 = arith.index_cast %scan3A_300 : i32 to index
        %get3A_338 = arith.constant 0 : index
        %get3A_339 = tpu.vector_load %arg17[%get3A_337, %get3A_338] {strides = array<i32>} : memref<40x128xf32, #tpu.memory_space<vmem>>, vector<1x16xf32>,
        %get3A_340 = vector.shape_cast %get3A_339 : vector<1x16xf32> to vector<16xf32>
        %mul3A_341 = arith.mulf %div3A_336, %get3A_340 : vector<16xf32>
        %swap3A_342 = arith.index_cast %scan3A_300 : i32 to index
        %swap3A_343 = arith.constant 0 : index
        %swap3A_344 = tpu.vector_load %arg17[%swap3A_342, %swap3A_343] {strides = array<i32>} : memref<40x128xf32, #tpu.memory_space<vmem>>, vector<1x16xf32>,
        %swap3A_345 = vector.shape_cast %swap3A_344 : vector<1x16xf32> to vector<16xf32>
        %swap3A_346 = vector.shape_cast %mul3A_341 : vector<16xf32> to vector<1x16xf32>
        tpu.vector_store %arg17[%swap3A_342, %swap3A_343], %swap3A_346 {strides = array<i32>} : memref<40x128xf32, #tpu.memory_space<vmem>>, vector<1x16xf32>,
        %swap3A_347 = arith.index_cast %scan3A_300 : i32 to index
        %swap3A_348 = arith.constant 0 : index
        %swap3A_349 = tpu.vector_load %arg14[%swap3A_347, %swap3A_348] {strides = array<i32>} : memref<40x128xf32, #tpu.memory_space<vmem>>, vector<1x16xf32>,
        %swap3A_350 = vector.shape_cast %swap3A_349 : vector<1x16xf32> to vector<16xf32>
        %swap3A_351 = vector.shape_cast %add3A_329 : vector<16xf32> to vector<1x16xf32>
        tpu.vector_store %arg14[%swap3A_347, %swap3A_348], %swap3A_351 {strides = array<i32>} : memref<40x128xf32, #tpu.memory_space<vmem>>, vector<1x16xf32>,
        %add3A_352 = arith.addf %scan3A_301, %add3A_329 : vector<16xf32>
        %mul3A_353 = arith.mulf %add3A_329, %add3A_329 : vector<16xf32>
        %add3A_354 = arith.addf %scan3A_309, %mul3A_353 : vector<16xf32>
        %get3A_355 = arith.index_cast %scan3A_300 : i32 to index
        %get3A_356 = arith.constant 16 : index
        %get3A_357 = tpu.vector_load %arg14[%get3A_355, %get3A_356] {strides = array<i32>} : memref<40x128xf32, #tpu.memory_space<vmem>>, vector<1x16xf32>,
        %get3A_358 = vector.shape_cast %get3A_357 : vector<1x16xf32> to vector<16xf32>
        %get3A_359 = arith.index_cast %scan3A_300 : i32 to index
        %get3A_360 = arith.constant 16 : index
        %get3A_361 = tpu.vector_load %arg15[%get3A_359, %get3A_360] {strides = array<i32>} : memref<40x128xf32, #tpu.memory_space<vmem>>, vector<1x16xf32>,
        %get3A_362 = vector.shape_cast %get3A_361 : vector<1x16xf32> to vector<16xf32>
        %add3A_363 = arith.addf %get3A_358, %get3A_362 : vector<16xf32>
        %get3A_364 = arith.index_cast %scan3A_300 : i32 to index
        %get3A_365 = arith.constant 16 : index
        %get3A_366 = tpu.vector_load %arg16[%get3A_364, %get3A_365] {strides = array<i32>} : memref<40x128xf32, #tpu.memory_space<vmem>>, vector<1x16xf32>,
        %get3A_367 = vector.shape_cast %get3A_366 : vector<1x16xf32> to vector<16xf32>
        %add3A_368 = arith.addf %add3A_363, %get3A_367 : vector<16xf32>
        %neg3A_369 = arith.constant 0.000000e+00 : f32
        %neg3A_370 = vector.broadcast %neg3A_369 : f32 to vector<16xf32>
        %neg3A_371 = arith.subf %neg3A_370, %add3A_368 : vector<16xf32>
        %exp3A_372 = math.exp %neg3A_371 : vector<16xf32>
        %add3A_373 = arith.constant 1.000000e+00 : f32
        %add3A_374 = vector.broadcast %add3A_373 : f32 to vector<16xf32>
        %add3A_375 = arith.addf %add3A_374, %exp3A_372 : vector<16xf32>
        %div3A_376 = arith.constant 1.000000e+00 : f32
        %div3A_377 = vector.broadcast %div3A_376 : f32 to vector<16xf32>
        %div3A_378 = arith.divf %div3A_377, %add3A_375 : vector<16xf32>
        %get3A_379 = arith.index_cast %scan3A_300 : i32 to index
        %get3A_380 = arith.constant 16 : index
        %get3A_381 = tpu.vector_load %arg17[%get3A_379, %get3A_380] {strides = array<i32>} : memref<40x128xf32, #tpu.memory_space<vmem>>, vector<1x16xf32>,
        %get3A_382 = vector.shape_cast %get3A_381 : vector<1x16xf32> to vector<16xf32>
        %mul3A_383 = arith.mulf %div3A_378, %get3A_382 : vector<16xf32>
        %swap3A_384 = arith.index_cast %scan3A_300 : i32 to index
        %swap3A_385 = arith.constant 16 : index
        %swap3A_386 = tpu.vector_load %arg17[%swap3A_384, %swap3A_385] {strides = array<i32>} : memref<40x128xf32, #tpu.memory_space<vmem>>, vector<1x16xf32>,
        %swap3A_387 = vector.shape_cast %swap3A_386 : vector<1x16xf32> to vector<16xf32>
        %swap3A_388 = vector.shape_cast %mul3A_383 : vector<16xf32> to vector<1x16xf32>
        tpu.vector_store %arg17[%swap3A_384, %swap3A_385], %swap3A_388 {strides = array<i32>} : memref<40x128xf32, #tpu.memory_space<vmem>>, vector<1x16xf32>,
        %swap3A_389 = arith.index_cast %scan3A_300 : i32 to index
        %swap3A_390 = arith.constant 16 : index
        %swap3A_391 = tpu.vector_load %arg14[%swap3A_389, %swap3A_390] {strides = array<i32>} : memref<40x128xf32, #tpu.memory_space<vmem>>, vector<1x16xf32>,
        %swap3A_392 = vector.shape_cast %swap3A_391 : vector<1x16xf32> to vector<16xf32>
        %swap3A_393 = vector.shape_cast %add3A_368 : vector<16xf32> to vector<1x16xf32>
        tpu.vector_store %arg14[%swap3A_389, %swap3A_390], %swap3A_393 {strides = array<i32>} : memref<40x128xf32, #tpu.memory_space<vmem>>, vector<1x16xf32>,
        %add3A_394 = arith.addf %scan3A_302, %add3A_368 : vector<16xf32>
        %mul3A_395 = arith.mulf %add3A_368, %add3A_368 : vector<16xf32>
        %add3A_396 = arith.addf %scan3A_310, %mul3A_395 : vector<16xf32>
        %get3A_397 = arith.index_cast %scan3A_300 : i32 to index
        %get3A_398 = arith.constant 32 : index
        %get3A_399 = tpu.vector_load %arg14[%get3A_397, %get3A_398] {strides = array<i32>} : memref<40x128xf32, #tpu.memory_space<vmem>>, vector<1x16xf32>,
        %get3A_400 = vector.shape_cast %get3A_399 : vector<1x16xf32> to vector<16xf32>
        %get3A_401 = arith.index_cast %scan3A_300 : i32 to index
        %get3A_402 = arith.constant 32 : index
        %get3A_403 = tpu.vector_load %arg15[%get3A_401, %get3A_402] {strides = array<i32>} : memref<40x128xf32, #tpu.memory_space<vmem>>, vector<1x16xf32>,
        %get3A_404 = vector.shape_cast %get3A_403 : vector<1x16xf32> to vector<16xf32>
        %add3A_405 = arith.addf %get3A_400, %get3A_404 : vector<16xf32>
        %get3A_406 = arith.index_cast %scan3A_300 : i32 to index
        %get3A_407 = arith.constant 32 : index
        %get3A_408 = tpu.vector_load %arg16[%get3A_406, %get3A_407] {strides = array<i32>} : memref<40x128xf32, #tpu.memory_space<vmem>>, vector<1x16xf32>,
        %get3A_409 = vector.shape_cast %get3A_408 : vector<1x16xf32> to vector<16xf32>
        %add3A_410 = arith.addf %add3A_405, %get3A_409 : vector<16xf32>
        %neg3A_411 = arith.constant 0.000000e+00 : f32
        %neg3A_412 = vector.broadcast %neg3A_411 : f32 to vector<16xf32>
        %neg3A_413 = arith.subf %neg3A_412, %add3A_410 : vector<16xf32>
        %exp3A_414 = math.exp %neg3A_413 : vector<16xf32>
        %add3A_415 = arith.constant 1.000000e+00 : f32
        %add3A_416 = vector.broadcast %add3A_415 : f32 to vector<16xf32>
        %add3A_417 = arith.addf %add3A_416, %exp3A_414 : vector<16xf32>
        %div3A_418 = arith.constant 1.000000e+00 : f32
        %div3A_419 = vector.broadcast %div3A_418 : f32 to vector<16xf32>
        %div3A_420 = arith.divf %div3A_419, %add3A_417 : vector<16xf32>
        %get3A_421 = arith.index_cast %scan3A_300 : i32 to index
        %get3A_422 = arith.constant 32 : index
        %get3A_423 = tpu.vector_load %arg17[%get3A_421, %get3A_422] {strides = array<i32>} : memref<40x128xf32, #tpu.memory_space<vmem>>, vector<1x16xf32>,
        %get3A_424 = vector.shape_cast %get3A_423 : vector<1x16xf32> to vector<16xf32>
        %mul3A_425 = arith.mulf %div3A_420, %get3A_424 : vector<16xf32>
        %swap3A_426 = arith.index_cast %scan3A_300 : i32 to index
        %swap3A_427 = arith.constant 32 : index
        %swap3A_428 = tpu.vector_load %arg17[%swap3A_426, %swap3A_427] {strides = array<i32>} : memref<40x128xf32, #tpu.memory_space<vmem>>, vector<1x16xf32>,
        %swap3A_429 = vector.shape_cast %swap3A_428 : vector<1x16xf32> to vector<16xf32>
        %swap3A_430 = vector.shape_cast %mul3A_425 : vector<16xf32> to vector<1x16xf32>
        tpu.vector_store %arg17[%swap3A_426, %swap3A_427], %swap3A_430 {strides = array<i32>} : memref<40x128xf32, #tpu.memory_space<vmem>>, vector<1x16xf32>,
        %swap3A_431 = arith.index_cast %scan3A_300 : i32 to index
        %swap3A_432 = arith.constant 32 : index
        %swap3A_433 = tpu.vector_load %arg14[%swap3A_431, %swap3A_432] {strides = array<i32>} : memref<40x128xf32, #tpu.memory_space<vmem>>, vector<1x16xf32>,
        %swap3A_434 = vector.shape_cast %swap3A_433 : vector<1x16xf32> to vector<16xf32>
        %swap3A_435 = vector.shape_cast %add3A_410 : vector<16xf32> to vector<1x16xf32>
        tpu.vector_store %arg14[%swap3A_431, %swap3A_432], %swap3A_435 {strides = array<i32>} : memref<40x128xf32, #tpu.memory_space<vmem>>, vector<1x16xf32>,
        %add3A_436 = arith.addf %scan3A_303, %add3A_410 : vector<16xf32>
        %mul3A_437 = arith.mulf %add3A_410, %add3A_410 : vector<16xf32>
        %add3A_438 = arith.addf %scan3A_311, %mul3A_437 : vector<16xf32>
        %get3A_439 = arith.index_cast %scan3A_300 : i32 to index
        %get3A_440 = arith.constant 48 : index
        %get3A_441 = tpu.vector_load %arg14[%get3A_439, %get3A_440] {strides = array<i32>} : memref<40x128xf32, #tpu.memory_space<vmem>>, vector<1x16xf32>,
        %get3A_442 = vector.shape_cast %get3A_441 : vector<1x16xf32> to vector<16xf32>
        %get3A_443 = arith.index_cast %scan3A_300 : i32 to index
        %get3A_444 = arith.constant 48 : index
        %get3A_445 = tpu.vector_load %arg15[%get3A_443, %get3A_444] {strides = array<i32>} : memref<40x128xf32, #tpu.memory_space<vmem>>, vector<1x16xf32>,
        %get3A_446 = vector.shape_cast %get3A_445 : vector<1x16xf32> to vector<16xf32>
        %add3A_447 = arith.addf %get3A_442, %get3A_446 : vector<16xf32>
        %get3A_448 = arith.index_cast %scan3A_300 : i32 to index
        %get3A_449 = arith.constant 48 : index
        %get3A_450 = tpu.vector_load %arg16[%get3A_448, %get3A_449] {strides = array<i32>} : memref<40x128xf32, #tpu.memory_space<vmem>>, vector<1x16xf32>,
        %get3A_451 = vector.shape_cast %get3A_450 : vector<1x16xf32> to vector<16xf32>
        %add3A_452 = arith.addf %add3A_447, %get3A_451 : vector<16xf32>
        %neg3A_453 = arith.constant 0.000000e+00 : f32
        %neg3A_454 = vector.broadcast %neg3A_453 : f32 to vector<16xf32>
        %neg3A_455 = arith.subf %neg3A_454, %add3A_452 : vector<16xf32>
        %exp3A_456 = math.exp %neg3A_455 : vector<16xf32>
        %add3A_457 = arith.constant 1.000000e+00 : f32
        %add3A_458 = vector.broadcast %add3A_457 : f32 to vector<16xf32>
        %add3A_459 = arith.addf %add3A_458, %exp3A_456 : vector<16xf32>
        %div3A_460 = arith.constant 1.000000e+00 : f32
        %div3A_461 = vector.broadcast %div3A_460 : f32 to vector<16xf32>
        %div3A_462 = arith.divf %div3A_461, %add3A_459 : vector<16xf32>
        %get3A_463 = arith.index_cast %scan3A_300 : i32 to index
        %get3A_464 = arith.constant 48 : index
        %get3A_465 = tpu.vector_load %arg17[%get3A_463, %get3A_464] {strides = array<i32>} : memref<40x128xf32, #tpu.memory_space<vmem>>, vector<1x16xf32>,
        %get3A_466 = vector.shape_cast %get3A_465 : vector<1x16xf32> to vector<16xf32>
        %mul3A_467 = arith.mulf %div3A_462, %get3A_466 : vector<16xf32>
        %swap3A_468 = arith.index_cast %scan3A_300 : i32 to index
        %swap3A_469 = arith.constant 48 : index
        %swap3A_470 = tpu.vector_load %arg17[%swap3A_468, %swap3A_469] {strides = array<i32>} : memref<40x128xf32, #tpu.memory_space<vmem>>, vector<1x16xf32>,
        %swap3A_471 = vector.shape_cast %swap3A_470 : vector<1x16xf32> to vector<16xf32>
        %swap3A_472 = vector.shape_cast %mul3A_467 : vector<16xf32> to vector<1x16xf32>
        tpu.vector_store %arg17[%swap3A_468, %swap3A_469], %swap3A_472 {strides = array<i32>} : memref<40x128xf32, #tpu.memory_space<vmem>>, vector<1x16xf32>,
        %swap3A_473 = arith.index_cast %scan3A_300 : i32 to index
        %swap3A_474 = arith.constant 48 : index
        %swap3A_475 = tpu.vector_load %arg14[%swap3A_473, %swap3A_474] {strides = array<i32>} : memref<40x128xf32, #tpu.memory_space<vmem>>, vector<1x16xf32>,
        %swap3A_476 = vector.shape_cast %swap3A_475 : vector<1x16xf32> to vector<16xf32>
        %swap3A_477 = vector.shape_cast %add3A_452 : vector<16xf32> to vector<1x16xf32>
        tpu.vector_store %arg14[%swap3A_473, %swap3A_474], %swap3A_477 {strides = array<i32>} : memref<40x128xf32, #tpu.memory_space<vmem>>, vector<1x16xf32>,
        %add3A_478 = arith.addf %scan3A_304, %add3A_452 : vector<16xf32>
        %mul3A_479 = arith.mulf %add3A_452, %add3A_452 : vector<16xf32>
        %add3A_480 = arith.addf %scan3A_312, %mul3A_479 : vector<16xf32>
        %get3A_481 = arith.index_cast %scan3A_300 : i32 to index
        %get3A_482 = arith.constant 64 : index
        %get3A_483 = tpu.vector_load %arg14[%get3A_481, %get3A_482] {strides = array<i32>} : memref<40x128xf32, #tpu.memory_space<vmem>>, vector<1x16xf32>,
        %get3A_484 = vector.shape_cast %get3A_483 : vector<1x16xf32> to vector<16xf32>
        %get3A_485 = arith.index_cast %scan3A_300 : i32 to index
        %get3A_486 = arith.constant 64 : index
        %get3A_487 = tpu.vector_load %arg15[%get3A_485, %get3A_486] {strides = array<i32>} : memref<40x128xf32, #tpu.memory_space<vmem>>, vector<1x16xf32>,
        %get3A_488 = vector.shape_cast %get3A_487 : vector<1x16xf32> to vector<16xf32>
        %add3A_489 = arith.addf %get3A_484, %get3A_488 : vector<16xf32>
        %get3A_490 = arith.index_cast %scan3A_300 : i32 to index
        %get3A_491 = arith.constant 64 : index
        %get3A_492 = tpu.vector_load %arg16[%get3A_490, %get3A_491] {strides = array<i32>} : memref<40x128xf32, #tpu.memory_space<vmem>>, vector<1x16xf32>,
        %get3A_493 = vector.shape_cast %get3A_492 : vector<1x16xf32> to vector<16xf32>
        %add3A_494 = arith.addf %add3A_489, %get3A_493 : vector<16xf32>
        %neg3A_495 = arith.constant 0.000000e+00 : f32
        %neg3A_496 = vector.broadcast %neg3A_495 : f32 to vector<16xf32>
        %neg3A_497 = arith.subf %neg3A_496, %add3A_494 : vector<16xf32>
        %exp3A_498 = math.exp %neg3A_497 : vector<16xf32>
        %add3A_499 = arith.constant 1.000000e+00 : f32
        %add3A_500 = vector.broadcast %add3A_499 : f32 to vector<16xf32>
        %add3A_501 = arith.addf %add3A_500, %exp3A_498 : vector<16xf32>
        %div3A_502 = arith.constant 1.000000e+00 : f32
        %div3A_503 = vector.broadcast %div3A_502 : f32 to vector<16xf32>
        %div3A_504 = arith.divf %div3A_503, %add3A_501 : vector<16xf32>
        %get3A_505 = arith.index_cast %scan3A_300 : i32 to index
        %get3A_506 = arith.constant 64 : index
        %get3A_507 = tpu.vector_load %arg17[%get3A_505, %get3A_506] {strides = array<i32>} : memref<40x128xf32, #tpu.memory_space<vmem>>, vector<1x16xf32>,
        %get3A_508 = vector.shape_cast %get3A_507 : vector<1x16xf32> to vector<16xf32>
        %mul3A_509 = arith.mulf %div3A_504, %get3A_508 : vector<16xf32>
        %swap3A_510 = arith.index_cast %scan3A_300 : i32 to index
        %swap3A_511 = arith.constant 64 : index
        %swap3A_512 = tpu.vector_load %arg17[%swap3A_510, %swap3A_511] {strides = array<i32>} : memref<40x128xf32, #tpu.memory_space<vmem>>, vector<1x16xf32>,
        %swap3A_513 = vector.shape_cast %swap3A_512 : vector<1x16xf32> to vector<16xf32>
        %swap3A_514 = vector.shape_cast %mul3A_509 : vector<16xf32> to vector<1x16xf32>
        tpu.vector_store %arg17[%swap3A_510, %swap3A_511], %swap3A_514 {strides = array<i32>} : memref<40x128xf32, #tpu.memory_space<vmem>>, vector<1x16xf32>,
        %swap3A_515 = arith.index_cast %scan3A_300 : i32 to index
        %swap3A_516 = arith.constant 64 : index
        %swap3A_517 = tpu.vector_load %arg14[%swap3A_515, %swap3A_516] {strides = array<i32>} : memref<40x128xf32, #tpu.memory_space<vmem>>, vector<1x16xf32>,
        %swap3A_518 = vector.shape_cast %swap3A_517 : vector<1x16xf32> to vector<16xf32>
        %swap3A_519 = vector.shape_cast %add3A_494 : vector<16xf32> to vector<1x16xf32>
        tpu.vector_store %arg14[%swap3A_515, %swap3A_516], %swap3A_519 {strides = array<i32>} : memref<40x128xf32, #tpu.memory_space<vmem>>, vector<1x16xf32>,
        %add3A_520 = arith.addf %scan3A_305, %add3A_494 : vector<16xf32>
        %mul3A_521 = arith.mulf %add3A_494, %add3A_494 : vector<16xf32>
        %add3A_522 = arith.addf %scan3A_313, %mul3A_521 : vector<16xf32>
        %get3A_523 = arith.index_cast %scan3A_300 : i32 to index
        %get3A_524 = arith.constant 80 : index
        %get3A_525 = tpu.vector_load %arg14[%get3A_523, %get3A_524] {strides = array<i32>} : memref<40x128xf32, #tpu.memory_space<vmem>>, vector<1x16xf32>,
        %get3A_526 = vector.shape_cast %get3A_525 : vector<1x16xf32> to vector<16xf32>
        %get3A_527 = arith.index_cast %scan3A_300 : i32 to index
        %get3A_528 = arith.constant 80 : index
        %get3A_529 = tpu.vector_load %arg15[%get3A_527, %get3A_528] {strides = array<i32>} : memref<40x128xf32, #tpu.memory_space<vmem>>, vector<1x16xf32>,
        %get3A_530 = vector.shape_cast %get3A_529 : vector<1x16xf32> to vector<16xf32>
        %add3A_531 = arith.addf %get3A_526, %get3A_530 : vector<16xf32>
        %get3A_532 = arith.index_cast %scan3A_300 : i32 to index
        %get3A_533 = arith.constant 80 : index
        %get3A_534 = tpu.vector_load %arg16[%get3A_532, %get3A_533] {strides = array<i32>} : memref<40x128xf32, #tpu.memory_space<vmem>>, vector<1x16xf32>,
        %get3A_535 = vector.shape_cast %get3A_534 : vector<1x16xf32> to vector<16xf32>
        %add3A_536 = arith.addf %add3A_531, %get3A_535 : vector<16xf32>
        %neg3A_537 = arith.constant 0.000000e+00 : f32
        %neg3A_538 = vector.broadcast %neg3A_537 : f32 to vector<16xf32>
        %neg3A_539 = arith.subf %neg3A_538, %add3A_536 : vector<16xf32>
        %exp3A_540 = math.exp %neg3A_539 : vector<16xf32>
        %add3A_541 = arith.constant 1.000000e+00 : f32
        %add3A_542 = vector.broadcast %add3A_541 : f32 to vector<16xf32>
        %add3A_543 = arith.addf %add3A_542, %exp3A_540 : vector<16xf32>
        %div3A_544 = arith.constant 1.000000e+00 : f32
        %div3A_545 = vector.broadcast %div3A_544 : f32 to vector<16xf32>
        %div3A_546 = arith.divf %div3A_545, %add3A_543 : vector<16xf32>
        %get3A_547 = arith.index_cast %scan3A_300 : i32 to index
        %get3A_548 = arith.constant 80 : index
        %get3A_549 = tpu.vector_load %arg17[%get3A_547, %get3A_548] {strides = array<i32>} : memref<40x128xf32, #tpu.memory_space<vmem>>, vector<1x16xf32>,
        %get3A_550 = vector.shape_cast %get3A_549 : vector<1x16xf32> to vector<16xf32>
        %mul3A_551 = arith.mulf %div3A_546, %get3A_550 : vector<16xf32>
        %swap3A_552 = arith.index_cast %scan3A_300 : i32 to index
        %swap3A_553 = arith.constant 80 : index
        %swap3A_554 = tpu.vector_load %arg17[%swap3A_552, %swap3A_553] {strides = array<i32>} : memref<40x128xf32, #tpu.memory_space<vmem>>, vector<1x16xf32>,
        %swap3A_555 = vector.shape_cast %swap3A_554 : vector<1x16xf32> to vector<16xf32>
        %swap3A_556 = vector.shape_cast %mul3A_551 : vector<16xf32> to vector<1x16xf32>
        tpu.vector_store %arg17[%swap3A_552, %swap3A_553], %swap3A_556 {strides = array<i32>} : memref<40x128xf32, #tpu.memory_space<vmem>>, vector<1x16xf32>,
        %swap3A_557 = arith.index_cast %scan3A_300 : i32 to index
        %swap3A_558 = arith.constant 80 : index
        %swap3A_559 = tpu.vector_load %arg14[%swap3A_557, %swap3A_558] {strides = array<i32>} : memref<40x128xf32, #tpu.memory_space<vmem>>, vector<1x16xf32>,
        %swap3A_560 = vector.shape_cast %swap3A_559 : vector<1x16xf32> to vector<16xf32>
        %swap3A_561 = vector.shape_cast %add3A_536 : vector<16xf32> to vector<1x16xf32>
        tpu.vector_store %arg14[%swap3A_557, %swap3A_558], %swap3A_561 {strides = array<i32>} : memref<40x128xf32, #tpu.memory_space<vmem>>, vector<1x16xf32>,
        %add3A_562 = arith.addf %scan3A_306, %add3A_536 : vector<16xf32>
        %mul3A_563 = arith.mulf %add3A_536, %add3A_536 : vector<16xf32>
        %add3A_564 = arith.addf %scan3A_314, %mul3A_563 : vector<16xf32>
        %get3A_565 = arith.index_cast %scan3A_300 : i32 to index
        %get3A_566 = arith.constant 96 : index
        %get3A_567 = tpu.vector_load %arg14[%get3A_565, %get3A_566] {strides = array<i32>} : memref<40x128xf32, #tpu.memory_space<vmem>>, vector<1x16xf32>,
        %get3A_568 = vector.shape_cast %get3A_567 : vector<1x16xf32> to vector<16xf32>
        %get3A_569 = arith.index_cast %scan3A_300 : i32 to index
        %get3A_570 = arith.constant 96 : index
        %get3A_571 = tpu.vector_load %arg15[%get3A_569, %get3A_570] {strides = array<i32>} : memref<40x128xf32, #tpu.memory_space<vmem>>, vector<1x16xf32>,
        %get3A_572 = vector.shape_cast %get3A_571 : vector<1x16xf32> to vector<16xf32>
        %add3A_573 = arith.addf %get3A_568, %get3A_572 : vector<16xf32>
        %get3A_574 = arith.index_cast %scan3A_300 : i32 to index
        %get3A_575 = arith.constant 96 : index
        %get3A_576 = tpu.vector_load %arg16[%get3A_574, %get3A_575] {strides = array<i32>} : memref<40x128xf32, #tpu.memory_space<vmem>>, vector<1x16xf32>,
        %get3A_577 = vector.shape_cast %get3A_576 : vector<1x16xf32> to vector<16xf32>
        %add3A_578 = arith.addf %add3A_573, %get3A_577 : vector<16xf32>
        %neg3A_579 = arith.constant 0.000000e+00 : f32
        %neg3A_580 = vector.broadcast %neg3A_579 : f32 to vector<16xf32>
        %neg3A_581 = arith.subf %neg3A_580, %add3A_578 : vector<16xf32>
        %exp3A_582 = math.exp %neg3A_581 : vector<16xf32>
        %add3A_583 = arith.constant 1.000000e+00 : f32
        %add3A_584 = vector.broadcast %add3A_583 : f32 to vector<16xf32>
        %add3A_585 = arith.addf %add3A_584, %exp3A_582 : vector<16xf32>
        %div3A_586 = arith.constant 1.000000e+00 : f32
        %div3A_587 = vector.broadcast %div3A_586 : f32 to vector<16xf32>
        %div3A_588 = arith.divf %div3A_587, %add3A_585 : vector<16xf32>
        %get3A_589 = arith.index_cast %scan3A_300 : i32 to index
        %get3A_590 = arith.constant 96 : index
        %get3A_591 = tpu.vector_load %arg17[%get3A_589, %get3A_590] {strides = array<i32>} : memref<40x128xf32, #tpu.memory_space<vmem>>, vector<1x16xf32>,
        %get3A_592 = vector.shape_cast %get3A_591 : vector<1x16xf32> to vector<16xf32>
        %mul3A_593 = arith.mulf %div3A_588, %get3A_592 : vector<16xf32>
        %swap3A_594 = arith.index_cast %scan3A_300 : i32 to index
        %swap3A_595 = arith.constant 96 : index
        %swap3A_596 = tpu.vector_load %arg17[%swap3A_594, %swap3A_595] {strides = array<i32>} : memref<40x128xf32, #tpu.memory_space<vmem>>, vector<1x16xf32>,
        %swap3A_597 = vector.shape_cast %swap3A_596 : vector<1x16xf32> to vector<16xf32>
        %swap3A_598 = vector.shape_cast %mul3A_593 : vector<16xf32> to vector<1x16xf32>
        tpu.vector_store %arg17[%swap3A_594, %swap3A_595], %swap3A_598 {strides = array<i32>} : memref<40x128xf32, #tpu.memory_space<vmem>>, vector<1x16xf32>,
        %swap3A_599 = arith.index_cast %scan3A_300 : i32 to index
        %swap3A_600 = arith.constant 96 : index
        %swap3A_601 = tpu.vector_load %arg14[%swap3A_599, %swap3A_600] {strides = array<i32>} : memref<40x128xf32, #tpu.memory_space<vmem>>, vector<1x16xf32>,
        %swap3A_602 = vector.shape_cast %swap3A_601 : vector<1x16xf32> to vector<16xf32>
        %swap3A_603 = vector.shape_cast %add3A_578 : vector<16xf32> to vector<1x16xf32>
        tpu.vector_store %arg14[%swap3A_599, %swap3A_600], %swap3A_603 {strides = array<i32>} : memref<40x128xf32, #tpu.memory_space<vmem>>, vector<1x16xf32>,
        %add3A_604 = arith.addf %scan3A_307, %add3A_578 : vector<16xf32>
        %mul3A_605 = arith.mulf %add3A_578, %add3A_578 : vector<16xf32>
        %add3A_606 = arith.addf %scan3A_315, %mul3A_605 : vector<16xf32>
        %get3A_607 = arith.index_cast %scan3A_300 : i32 to index
        %get3A_608 = arith.constant 112 : index
        %get3A_609 = tpu.vector_load %arg14[%get3A_607, %get3A_608] {strides = array<i32>} : memref<40x128xf32, #tpu.memory_space<vmem>>, vector<1x16xf32>,
        %get3A_610 = vector.shape_cast %get3A_609 : vector<1x16xf32> to vector<16xf32>
        %get3A_611 = arith.index_cast %scan3A_300 : i32 to index
        %get3A_612 = arith.constant 112 : index
        %get3A_613 = tpu.vector_load %arg15[%get3A_611, %get3A_612] {strides = array<i32>} : memref<40x128xf32, #tpu.memory_space<vmem>>, vector<1x16xf32>,
        %get3A_614 = vector.shape_cast %get3A_613 : vector<1x16xf32> to vector<16xf32>
        %add3A_615 = arith.addf %get3A_610, %get3A_614 : vector<16xf32>
        %get3A_616 = arith.index_cast %scan3A_300 : i32 to index
        %get3A_617 = arith.constant 112 : index
        %get3A_618 = tpu.vector_load %arg16[%get3A_616, %get3A_617] {strides = array<i32>} : memref<40x128xf32, #tpu.memory_space<vmem>>, vector<1x16xf32>,
        %get3A_619 = vector.shape_cast %get3A_618 : vector<1x16xf32> to vector<16xf32>
        %add3A_620 = arith.addf %add3A_615, %get3A_619 : vector<16xf32>
        %neg3A_621 = arith.constant 0.000000e+00 : f32
        %neg3A_622 = vector.broadcast %neg3A_621 : f32 to vector<16xf32>
        %neg3A_623 = arith.subf %neg3A_622, %add3A_620 : vector<16xf32>
        %exp3A_624 = math.exp %neg3A_623 : vector<16xf32>
        %add3A_625 = arith.constant 1.000000e+00 : f32
        %add3A_626 = vector.broadcast %add3A_625 : f32 to vector<16xf32>
        %add3A_627 = arith.addf %add3A_626, %exp3A_624 : vector<16xf32>
        %div3A_628 = arith.constant 1.000000e+00 : f32
        %div3A_629 = vector.broadcast %div3A_628 : f32 to vector<16xf32>
        %div3A_630 = arith.divf %div3A_629, %add3A_627 : vector<16xf32>
        %get3A_631 = arith.index_cast %scan3A_300 : i32 to index
        %get3A_632 = arith.constant 112 : index
        %get3A_633 = tpu.vector_load %arg17[%get3A_631, %get3A_632] {strides = array<i32>} : memref<40x128xf32, #tpu.memory_space<vmem>>, vector<1x16xf32>,
        %get3A_634 = vector.shape_cast %get3A_633 : vector<1x16xf32> to vector<16xf32>
        %mul3A_635 = arith.mulf %div3A_630, %get3A_634 : vector<16xf32>
        %swap3A_636 = arith.index_cast %scan3A_300 : i32 to index
        %swap3A_637 = arith.constant 112 : index
        %swap3A_638 = tpu.vector_load %arg17[%swap3A_636, %swap3A_637] {strides = array<i32>} : memref<40x128xf32, #tpu.memory_space<vmem>>, vector<1x16xf32>,
        %swap3A_639 = vector.shape_cast %swap3A_638 : vector<1x16xf32> to vector<16xf32>
        %swap3A_640 = vector.shape_cast %mul3A_635 : vector<16xf32> to vector<1x16xf32>
        tpu.vector_store %arg17[%swap3A_636, %swap3A_637], %swap3A_640 {strides = array<i32>} : memref<40x128xf32, #tpu.memory_space<vmem>>, vector<1x16xf32>,
        %swap3A_641 = arith.index_cast %scan3A_300 : i32 to index
        %swap3A_642 = arith.constant 112 : index
        %swap3A_643 = tpu.vector_load %arg14[%swap3A_641, %swap3A_642] {strides = array<i32>} : memref<40x128xf32, #tpu.memory_space<vmem>>, vector<1x16xf32>,
        %swap3A_644 = vector.shape_cast %swap3A_643 : vector<1x16xf32> to vector<16xf32>
        %swap3A_645 = vector.shape_cast %add3A_620 : vector<16xf32> to vector<1x16xf32>
        tpu.vector_store %arg14[%swap3A_641, %swap3A_642], %swap3A_645 {strides = array<i32>} : memref<40x128xf32, #tpu.memory_space<vmem>>, vector<1x16xf32>,
        %add3A_646 = arith.addf %scan3A_308, %add3A_620 : vector<16xf32>
        %mul3A_647 = arith.mulf %add3A_620, %add3A_620 : vector<16xf32>
        %add3A_648 = arith.addf %scan3A_316, %mul3A_647 : vector<16xf32>
        scf.yield %add3A_352, %add3A_394, %add3A_436, %add3A_478, %add3A_520, %add3A_562, %add3A_604, %add3A_646, %add3A_354, %add3A_396, %add3A_438, %add3A_480, %add3A_522, %add3A_564, %add3A_606, %add3A_648 : vector<16xf32>, vector<16xf32>, vector<16xf32>, vector<16xf32>, vector<16xf32>, vector<16xf32>, vector<16xf32>, vector<16xf32>, vector<16xf32>, vector<16xf32>, vector<16xf32>, vector<16xf32>, vector<16xf32>, vector<16xf32>, vector<16xf32>, vector<16xf32>
      }
      %scan3A_239 = arith.constant 40 : i32
      %mul3A_240 = arith.constant 2 : i32
      %mul3A_241 = arith.muli %mul3A_240, %scan3A_168 : i32
      %mul3A_242 = arith.constant 32 : i32
      %mul3A_243 = arith.muli %mul3A_241, %mul3A_242 : i32
      %add3A_244 = arith.addi %add3A, %mul3A_243 : i32
      %mul3A_245 = arith.constant 40 : i32
      %mul3A_246 = arith.muli %add3A_244, %mul3A_245 : i32
      %dma_start3A_247 = arith.constant 0 : i32
      %dma_start3A_248 = tpu.memref_slice %arg9[%mul3A_246, %dma_start3A_247] : memref<158720x128xf32, #tpu.memory_space<hbm>> -> memref<40x128xf32, #tpu.memory_space<hbm>>
      %dma_start3A_249 = arith.constant 0 : i32
      %dma_start3A_250 = tpu.memref_slice %arg9[%mul3A_246, %dma_start3A_249] : memref<158720x128xf32, #tpu.memory_space<hbm>> -> memref<40x128xf32, #tpu.memory_space<hbm>>
      tpu.enqueue_dma source(%arg14 : memref<40x128xf32, #tpu.memory_space<vmem>>) target(%dma_start3A_250 : memref<40x128xf32, #tpu.memory_space<hbm>>) target_semaphore(%arg31 : memref<!tpu.dma_semaphore, #tpu.memory_space<semaphore_mem>>)
      "tpu.region"() ({
        %run_scoped3A_300 = tpu.sem_alloc : memref<!tpu.dma_semaphore, #tpu.memory_space<semaphore_mem>>
        %dma_start3A_301 = arith.constant 0 : i32
        %dma_start3A_302 = arith.constant 0 : i32
        %dma_start3A_303 = tpu.memref_slice %arg26[%dma_start3A_301, %dma_start3A_302] : memref<10000x128xf32, #tpu.memory_space<vmem_shared>> -> memref<10000x128xf32, #tpu.memory_space<vmem_shared>>
        tpu.enqueue_indirect_dma source(%arg17 : memref<40x128xf32, #tpu.memory_space<vmem>>) target(%dma_start3A_303 : memref<10000x128xf32, #tpu.memory_space<vmem_shared>>) offsets(%arg13 : memref<40xi32, #tpu.memory_space<vmem>>) semaphore(%run_scoped3A_300 : memref<!tpu.dma_semaphore, #tpu.memory_space<semaphore_mem>>) {add = true}
        %dma_wait3A_304 = arith.constant 0 : i32
        %dma_wait3A_305 = arith.constant 0 : i32
        %dma_wait3A_306 = tpu.memref_slice %arg26[%dma_wait3A_304, %dma_wait3A_305] : memref<10000x128xf32, #tpu.memory_space<vmem_shared>> -> memref<10000x128xf32, #tpu.memory_space<vmem_shared>>
        tpu.wait_indirect_dma semaphore(%run_scoped3A_300 : memref<!tpu.dma_semaphore, #tpu.memory_space<semaphore_mem>>) src(%arg17 : memref<40x128xf32, #tpu.memory_space<vmem>>) dst(%dma_wait3A_306 : memref<10000x128xf32, #tpu.memory_space<vmem_shared>>)
        tpu.yield
      }) : () -> ()
      %lt3A_251 = arith.constant 61 : i32
      %lt3A_252 = arith.cmpi slt, %scan3A_168, %lt3A_251 : i32
      %convert_element_type3A_253 = arith.extui %lt3A_252 : i1 to i32
      %cond3A_254 = arith.constant 0 : i32
      %cond3A_255 = arith.cmpi ne, %convert_element_type3A_253, %cond3A_254 : i32
      scf.if %cond3A_255 {
        %mul3A_300 = arith.constant 2 : i32
        %mul3A_301 = arith.muli %mul3A_300, %scan3A_168 : i32
        %add3A_302 = arith.constant 2 : i32
        %add3A_303 = arith.addi %mul3A_301, %add3A_302 : i32
        %mul3A_304 = arith.constant 32 : i32
        %mul3A_305 = arith.muli %add3A_303, %mul3A_304 : i32
        %add3A_306 = arith.addi %add3A, %mul3A_305 : i32
        %mul3A_307 = arith.constant 40 : i32
        %mul3A_308 = arith.muli %add3A_306, %mul3A_307 : i32
        %dma_start3A_309 = tpu.memref_slice %arg6[%mul3A_308] : memref<158720xi32, #tpu.memory_space<hbm>> -> memref<40xi32, #tpu.memory_space<hbm>>
        %dma_start3A_310 = tpu.memref_slice %arg6[%mul3A_308] : memref<158720xi32, #tpu.memory_space<hbm>> -> memref<40xi32, #tpu.memory_space<hbm>>
        tpu.enqueue_dma source(%dma_start3A_310 : memref<40xi32, #tpu.memory_space<hbm>>) target(%arg12 : memref<40xi32, #tpu.memory_space<vmem>>) target_semaphore(%arg27 : memref<!tpu.dma_semaphore, #tpu.memory_space<semaphore_mem>>)
        %dma_start3A_311 = tpu.memref_slice %arg7[%mul3A_308] : memref<158720xi32, #tpu.memory_space<hbm>> -> memref<40xi32, #tpu.memory_space<hbm>>
        %dma_start3A_312 = tpu.memref_slice %arg7[%mul3A_308] : memref<158720xi32, #tpu.memory_space<hbm>> -> memref<40xi32, #tpu.memory_space<hbm>>
        tpu.enqueue_dma source(%dma_start3A_312 : memref<40xi32, #tpu.memory_space<hbm>>) target(%arg13 : memref<40xi32, #tpu.memory_space<vmem>>) target_semaphore(%arg27 : memref<!tpu.dma_semaphore, #tpu.memory_space<semaphore_mem>>)
      } else {
      }
      %lt3A_256 = arith.constant 61 : i32
      %lt3A_257 = arith.cmpi slt, %scan3A_168, %lt3A_256 : i32
      %convert_element_type3A_258 = arith.extui %lt3A_257 : i1 to i32
      %cond3A_259 = arith.constant 0 : i32
      %cond3A_260 = arith.cmpi ne, %convert_element_type3A_258, %cond3A_259 : i32
      scf.if %cond3A_260 {
        %dma_wait3A_300 = arith.constant 0 : i32
        %dma_wait3A_301 = arith.constant 0 : i32
        %dma_wait3A_302 = tpu.memref_slice %arg9[%dma_wait3A_300, %dma_wait3A_301] : memref<158720x128xf32, #tpu.memory_space<hbm>> -> memref<40x128xf32, #tpu.memory_space<hbm>>
        %dma_wait3A_303 = arith.constant 0 : i32
        %dma_wait3A_304 = arith.constant 0 : i32
        %dma_wait3A_305 = tpu.memref_slice %arg9[%dma_wait3A_303, %dma_wait3A_304] : memref<158720x128xf32, #tpu.memory_space<hbm>> -> memref<40x128xf32, #tpu.memory_space<hbm>>
        tpu.wait_dma2 semaphore(%arg31 : memref<!tpu.dma_semaphore, #tpu.memory_space<semaphore_mem>>) src(%arg14 : memref<40x128xf32, #tpu.memory_space<vmem>>) dst(%dma_wait3A_305 : memref<40x128xf32, #tpu.memory_space<hbm>>)
        %dma_wait3A_306 = arith.constant 0 : i32
        %dma_wait3A_307 = tpu.memref_slice %arg6[%dma_wait3A_306] : memref<158720xi32, #tpu.memory_space<hbm>> -> memref<40xi32, #tpu.memory_space<hbm>>
        %dma_wait3A_308 = arith.constant 0 : i32
        %dma_wait3A_309 = tpu.memref_slice %arg6[%dma_wait3A_308] : memref<158720xi32, #tpu.memory_space<hbm>> -> memref<40xi32, #tpu.memory_space<hbm>>
        tpu.wait_dma2 semaphore(%arg27 : memref<!tpu.dma_semaphore, #tpu.memory_space<semaphore_mem>>) src(%dma_wait3A_309 : memref<40xi32, #tpu.memory_space<hbm>>) dst(%arg12 : memref<40xi32, #tpu.memory_space<vmem>>)
        %dma_wait3A_310 = arith.constant 0 : i32
        %dma_wait3A_311 = tpu.memref_slice %arg7[%dma_wait3A_310] : memref<158720xi32, #tpu.memory_space<hbm>> -> memref<40xi32, #tpu.memory_space<hbm>>
        %dma_wait3A_312 = arith.constant 0 : i32
        %dma_wait3A_313 = tpu.memref_slice %arg7[%dma_wait3A_312] : memref<158720xi32, #tpu.memory_space<hbm>> -> memref<40xi32, #tpu.memory_space<hbm>>
        tpu.wait_dma2 semaphore(%arg27 : memref<!tpu.dma_semaphore, #tpu.memory_space<semaphore_mem>>) src(%dma_wait3A_313 : memref<40xi32, #tpu.memory_space<hbm>>) dst(%arg13 : memref<40xi32, #tpu.memory_space<vmem>>)
        %mul3A_314 = arith.constant 2 : i32
        %mul3A_315 = arith.muli %mul3A_314, %scan3A_168 : i32
        %add3A_316 = arith.constant 2 : i32
        %add3A_317 = arith.addi %mul3A_315, %add3A_316 : i32
        %mul3A_318 = arith.constant 32 : i32
        %mul3A_319 = arith.muli %add3A_317, %mul3A_318 : i32
        %add3A_320 = arith.addi %add3A, %mul3A_319 : i32
        %mul3A_321 = arith.constant 40 : i32
        %mul3A_322 = arith.muli %add3A_320, %mul3A_321 : i32
        %dma_start3A_323 = arith.constant 0 : i32
        %dma_start3A_324 = tpu.memref_slice %arg2[%mul3A_322, %dma_start3A_323] : memref<158720x128xf32, #tpu.memory_space<hbm>> -> memref<40x128xf32, #tpu.memory_space<hbm>>
        %dma_start3A_325 = arith.constant 0 : i32
        %dma_start3A_326 = tpu.memref_slice %arg2[%mul3A_322, %dma_start3A_325] : memref<158720x128xf32, #tpu.memory_space<hbm>> -> memref<40x128xf32, #tpu.memory_space<hbm>>
        tpu.enqueue_dma source(%dma_start3A_326 : memref<40x128xf32, #tpu.memory_space<hbm>>) target(%arg14 : memref<40x128xf32, #tpu.memory_space<vmem>>) target_semaphore(%arg29 : memref<!tpu.dma_semaphore, #tpu.memory_space<semaphore_mem>>)
        %dma_start3A_327 = arith.constant 0 : i32
        %dma_start3A_328 = arith.constant 0 : i32
        %dma_start3A_329 = tpu.memref_slice %arg3[%dma_start3A_327, %dma_start3A_328] : memref<10000x128xf32, #tpu.memory_space<hbm>> -> memref<10000x128xf32, #tpu.memory_space<hbm>>
        tpu.enqueue_indirect_dma source(%dma_start3A_329 : memref<10000x128xf32, #tpu.memory_space<hbm>>) target(%arg15 : memref<40x128xf32, #tpu.memory_space<vmem>>) offsets(%arg13 : memref<40xi32, #tpu.memory_space<vmem>>) semaphore(%arg29 : memref<!tpu.dma_semaphore, #tpu.memory_space<semaphore_mem>>)
        %dma_start3A_330 = arith.constant 0 : i32
        %dma_start3A_331 = arith.constant 0 : i32
        %dma_start3A_332 = tpu.memref_slice %arg4[%dma_start3A_330, %dma_start3A_331] : memref<10000x128xf32, #tpu.memory_space<hbm>> -> memref<10000x128xf32, #tpu.memory_space<hbm>>
        tpu.enqueue_indirect_dma source(%dma_start3A_332 : memref<10000x128xf32, #tpu.memory_space<hbm>>) target(%arg16 : memref<40x128xf32, #tpu.memory_space<vmem>>) offsets(%arg12 : memref<40xi32, #tpu.memory_space<vmem>>) semaphore(%arg29 : memref<!tpu.dma_semaphore, #tpu.memory_space<semaphore_mem>>)
        %dma_start3A_333 = arith.constant 0 : i32
        %dma_start3A_334 = arith.constant 0 : i32
        %dma_start3A_335 = tpu.memref_slice %arg5[%dma_start3A_333, %dma_start3A_334] : memref<10000x128xf32, #tpu.memory_space<hbm>> -> memref<10000x128xf32, #tpu.memory_space<hbm>>
        tpu.enqueue_indirect_dma source(%dma_start3A_335 : memref<10000x128xf32, #tpu.memory_space<hbm>>) target(%arg17 : memref<40x128xf32, #tpu.memory_space<vmem>>) offsets(%arg12 : memref<40xi32, #tpu.memory_space<vmem>>) semaphore(%arg29 : memref<!tpu.dma_semaphore, #tpu.memory_space<semaphore_mem>>)
      } else {
      }
      %dma_wait3A_261 = arith.constant 0 : i32
      %dma_wait3A_262 = arith.constant 0 : i32
      %dma_wait3A_263 = tpu.memref_slice %arg2[%dma_wait3A_261, %dma_wait3A_262] : memref<158720x128xf32, #tpu.memory_space<hbm>> -> memref<40x128xf32, #tpu.memory_space<hbm>>
      %dma_wait3A_264 = arith.constant 0 : i32
      %dma_wait3A_265 = arith.constant 0 : i32
      %dma_wait3A_266 = tpu.memref_slice %arg2[%dma_wait3A_264, %dma_wait3A_265] : memref<158720x128xf32, #tpu.memory_space<hbm>> -> memref<40x128xf32, #tpu.memory_space<hbm>>
      tpu.wait_dma2 semaphore(%arg30 : memref<!tpu.dma_semaphore, #tpu.memory_space<semaphore_mem>>) src(%dma_wait3A_266 : memref<40x128xf32, #tpu.memory_space<hbm>>) dst(%arg20 : memref<40x128xf32, #tpu.memory_space<vmem>>)
      %dma_wait3A_267 = arith.constant 0 : i32
      %dma_wait3A_268 = arith.constant 0 : i32
      %dma_wait3A_269 = tpu.memref_slice %arg3[%dma_wait3A_267, %dma_wait3A_268] : memref<10000x128xf32, #tpu.memory_space<hbm>> -> memref<10000x128xf32, #tpu.memory_space<hbm>>
      tpu.wait_indirect_dma semaphore(%arg30 : memref<!tpu.dma_semaphore, #tpu.memory_space<semaphore_mem>>) src(%dma_wait3A_269 : memref<10000x128xf32, #tpu.memory_space<hbm>>) dst(%arg21 : memref<40x128xf32, #tpu.memory_space<vmem>>)
      %dma_wait3A_270 = arith.constant 0 : i32
      %dma_wait3A_271 = arith.constant 0 : i32
      %dma_wait3A_272 = tpu.memref_slice %arg4[%dma_wait3A_270, %dma_wait3A_271] : memref<10000x128xf32, #tpu.memory_space<hbm>> -> memref<10000x128xf32, #tpu.memory_space<hbm>>
      tpu.wait_indirect_dma semaphore(%arg30 : memref<!tpu.dma_semaphore, #tpu.memory_space<semaphore_mem>>) src(%dma_wait3A_272 : memref<10000x128xf32, #tpu.memory_space<hbm>>) dst(%arg22 : memref<40x128xf32, #tpu.memory_space<vmem>>)
      %dma_wait3A_273 = arith.constant 0 : i32
      %dma_wait3A_274 = arith.constant 0 : i32
      %dma_wait3A_275 = tpu.memref_slice %arg5[%dma_wait3A_273, %dma_wait3A_274] : memref<10000x128xf32, #tpu.memory_space<hbm>> -> memref<10000x128xf32, #tpu.memory_space<hbm>>
      tpu.wait_indirect_dma semaphore(%arg30 : memref<!tpu.dma_semaphore, #tpu.memory_space<semaphore_mem>>) src(%dma_wait3A_275 : memref<10000x128xf32, #tpu.memory_space<hbm>>) dst(%arg23 : memref<40x128xf32, #tpu.memory_space<vmem>>)
      %scan3A_276 = arith.constant 0 : i32
      %scan3A_277 = arith.constant 40 : i32
      %scan3A_278 = arith.addi %scan3A_276, %scan3A_277 : i32
      %scan3A_279 = arith.constant 1 : i32
      %scan3A_280:16 = scf.for %scan3A_300 = %scan3A_276 to %scan3A_278 step %scan3A_279 iter_args(%scan3A_301 = %scan3A_238#0, %scan3A_302 = %scan3A_238#1, %scan3A_303 = %scan3A_238#2, %scan3A_304 = %scan3A_238#3, %scan3A_305 = %scan3A_238#4, %scan3A_306 = %scan3A_238#5, %scan3A_307 = %scan3A_238#6, %scan3A_308 = %scan3A_238#7, %scan3A_309 = %scan3A_238#8, %scan3A_310 = %scan3A_238#9, %scan3A_311 = %scan3A_238#10, %scan3A_312 = %scan3A_238#11, %scan3A_313 = %scan3A_238#12, %scan3A_314 = %scan3A_238#13, %scan3A_315 = %scan3A_238#14, %scan3A_316 = %scan3A_238#15) -> (vector<16xf32>, vector<16xf32>, vector<16xf32>, vector<16xf32>, vector<16xf32>, vector<16xf32>, vector<16xf32>, vector<16xf32>, vector<16xf32>, vector<16xf32>, vector<16xf32>, vector<16xf32>, vector<16xf32>, vector<16xf32>, vector<16xf32>, vector<16xf32>)  : i32 {
        %get3A = arith.index_cast %scan3A_300 : i32 to index
        %get3A_317 = arith.constant 0 : index
        %get3A_318 = tpu.vector_load %arg20[%get3A, %get3A_317] {strides = array<i32>} : memref<40x128xf32, #tpu.memory_space<vmem>>, vector<1x16xf32>,
        %get3A_319 = vector.shape_cast %get3A_318 : vector<1x16xf32> to vector<16xf32>
        %get3A_320 = arith.index_cast %scan3A_300 : i32 to index
        %get3A_321 = arith.constant 0 : index
        %get3A_322 = tpu.vector_load %arg21[%get3A_320, %get3A_321] {strides = array<i32>} : memref<40x128xf32, #tpu.memory_space<vmem>>, vector<1x16xf32>,
        %get3A_323 = vector.shape_cast %get3A_322 : vector<1x16xf32> to vector<16xf32>
        %add3A_324 = arith.addf %get3A_319, %get3A_323 : vector<16xf32>
        %get3A_325 = arith.index_cast %scan3A_300 : i32 to index
        %get3A_326 = arith.constant 0 : index
        %get3A_327 = tpu.vector_load %arg22[%get3A_325, %get3A_326] {strides = array<i32>} : memref<40x128xf32, #tpu.memory_space<vmem>>, vector<1x16xf32>,
        %get3A_328 = vector.shape_cast %get3A_327 : vector<1x16xf32> to vector<16xf32>
        %add3A_329 = arith.addf %add3A_324, %get3A_328 : vector<16xf32>
        %neg3A = arith.constant 0.000000e+00 : f32
        %neg3A_330 = vector.broadcast %neg3A : f32 to vector<16xf32>
        %neg3A_331 = arith.subf %neg3A_330, %add3A_329 : vector<16xf32>
        %exp3A = math.exp %neg3A_331 : vector<16xf32>
        %add3A_332 = arith.constant 1.000000e+00 : f32
        %add3A_333 = vector.broadcast %add3A_332 : f32 to vector<16xf32>
        %add3A_334 = arith.addf %add3A_333, %exp3A : vector<16xf32>
        %div3A = arith.constant 1.000000e+00 : f32
        %div3A_335 = vector.broadcast %div3A : f32 to vector<16xf32>
        %div3A_336 = arith.divf %div3A_335, %add3A_334 : vector<16xf32>
        %get3A_337 = arith.index_cast %scan3A_300 : i32 to index
        %get3A_338 = arith.constant 0 : index
        %get3A_339 = tpu.vector_load %arg23[%get3A_337, %get3A_338] {strides = array<i32>} : memref<40x128xf32, #tpu.memory_space<vmem>>, vector<1x16xf32>,
        %get3A_340 = vector.shape_cast %get3A_339 : vector<1x16xf32> to vector<16xf32>
        %mul3A_341 = arith.mulf %div3A_336, %get3A_340 : vector<16xf32>
        %swap3A_342 = arith.index_cast %scan3A_300 : i32 to index
        %swap3A_343 = arith.constant 0 : index
        %swap3A_344 = tpu.vector_load %arg23[%swap3A_342, %swap3A_343] {strides = array<i32>} : memref<40x128xf32, #tpu.memory_space<vmem>>, vector<1x16xf32>,
        %swap3A_345 = vector.shape_cast %swap3A_344 : vector<1x16xf32> to vector<16xf32>
        %swap3A_346 = vector.shape_cast %mul3A_341 : vector<16xf32> to vector<1x16xf32>
        tpu.vector_store %arg23[%swap3A_342, %swap3A_343], %swap3A_346 {strides = array<i32>} : memref<40x128xf32, #tpu.memory_space<vmem>>, vector<1x16xf32>,
        %swap3A_347 = arith.index_cast %scan3A_300 : i32 to index
        %swap3A_348 = arith.constant 0 : index
        %swap3A_349 = tpu.vector_load %arg20[%swap3A_347, %swap3A_348] {strides = array<i32>} : memref<40x128xf32, #tpu.memory_space<vmem>>, vector<1x16xf32>,
        %swap3A_350 = vector.shape_cast %swap3A_349 : vector<1x16xf32> to vector<16xf32>
        %swap3A_351 = vector.shape_cast %add3A_329 : vector<16xf32> to vector<1x16xf32>
        tpu.vector_store %arg20[%swap3A_347, %swap3A_348], %swap3A_351 {strides = array<i32>} : memref<40x128xf32, #tpu.memory_space<vmem>>, vector<1x16xf32>,
        %add3A_352 = arith.addf %scan3A_301, %add3A_329 : vector<16xf32>
        %mul3A_353 = arith.mulf %add3A_329, %add3A_329 : vector<16xf32>
        %add3A_354 = arith.addf %scan3A_309, %mul3A_353 : vector<16xf32>
        %get3A_355 = arith.index_cast %scan3A_300 : i32 to index
        %get3A_356 = arith.constant 16 : index
        %get3A_357 = tpu.vector_load %arg20[%get3A_355, %get3A_356] {strides = array<i32>} : memref<40x128xf32, #tpu.memory_space<vmem>>, vector<1x16xf32>,
        %get3A_358 = vector.shape_cast %get3A_357 : vector<1x16xf32> to vector<16xf32>
        %get3A_359 = arith.index_cast %scan3A_300 : i32 to index
        %get3A_360 = arith.constant 16 : index
        %get3A_361 = tpu.vector_load %arg21[%get3A_359, %get3A_360] {strides = array<i32>} : memref<40x128xf32, #tpu.memory_space<vmem>>, vector<1x16xf32>,
        %get3A_362 = vector.shape_cast %get3A_361 : vector<1x16xf32> to vector<16xf32>
        %add3A_363 = arith.addf %get3A_358, %get3A_362 : vector<16xf32>
        %get3A_364 = arith.index_cast %scan3A_300 : i32 to index
        %get3A_365 = arith.constant 16 : index
        %get3A_366 = tpu.vector_load %arg22[%get3A_364, %get3A_365] {strides = array<i32>} : memref<40x128xf32, #tpu.memory_space<vmem>>, vector<1x16xf32>,
        %get3A_367 = vector.shape_cast %get3A_366 : vector<1x16xf32> to vector<16xf32>
        %add3A_368 = arith.addf %add3A_363, %get3A_367 : vector<16xf32>
        %neg3A_369 = arith.constant 0.000000e+00 : f32
        %neg3A_370 = vector.broadcast %neg3A_369 : f32 to vector<16xf32>
        %neg3A_371 = arith.subf %neg3A_370, %add3A_368 : vector<16xf32>
        %exp3A_372 = math.exp %neg3A_371 : vector<16xf32>
        %add3A_373 = arith.constant 1.000000e+00 : f32
        %add3A_374 = vector.broadcast %add3A_373 : f32 to vector<16xf32>
        %add3A_375 = arith.addf %add3A_374, %exp3A_372 : vector<16xf32>
        %div3A_376 = arith.constant 1.000000e+00 : f32
        %div3A_377 = vector.broadcast %div3A_376 : f32 to vector<16xf32>
        %div3A_378 = arith.divf %div3A_377, %add3A_375 : vector<16xf32>
        %get3A_379 = arith.index_cast %scan3A_300 : i32 to index
        %get3A_380 = arith.constant 16 : index
        %get3A_381 = tpu.vector_load %arg23[%get3A_379, %get3A_380] {strides = array<i32>} : memref<40x128xf32, #tpu.memory_space<vmem>>, vector<1x16xf32>,
        %get3A_382 = vector.shape_cast %get3A_381 : vector<1x16xf32> to vector<16xf32>
        %mul3A_383 = arith.mulf %div3A_378, %get3A_382 : vector<16xf32>
        %swap3A_384 = arith.index_cast %scan3A_300 : i32 to index
        %swap3A_385 = arith.constant 16 : index
        %swap3A_386 = tpu.vector_load %arg23[%swap3A_384, %swap3A_385] {strides = array<i32>} : memref<40x128xf32, #tpu.memory_space<vmem>>, vector<1x16xf32>,
        %swap3A_387 = vector.shape_cast %swap3A_386 : vector<1x16xf32> to vector<16xf32>
        %swap3A_388 = vector.shape_cast %mul3A_383 : vector<16xf32> to vector<1x16xf32>
        tpu.vector_store %arg23[%swap3A_384, %swap3A_385], %swap3A_388 {strides = array<i32>} : memref<40x128xf32, #tpu.memory_space<vmem>>, vector<1x16xf32>,
        %swap3A_389 = arith.index_cast %scan3A_300 : i32 to index
        %swap3A_390 = arith.constant 16 : index
        %swap3A_391 = tpu.vector_load %arg20[%swap3A_389, %swap3A_390] {strides = array<i32>} : memref<40x128xf32, #tpu.memory_space<vmem>>, vector<1x16xf32>,
        %swap3A_392 = vector.shape_cast %swap3A_391 : vector<1x16xf32> to vector<16xf32>
        %swap3A_393 = vector.shape_cast %add3A_368 : vector<16xf32> to vector<1x16xf32>
        tpu.vector_store %arg20[%swap3A_389, %swap3A_390], %swap3A_393 {strides = array<i32>} : memref<40x128xf32, #tpu.memory_space<vmem>>, vector<1x16xf32>,
        %add3A_394 = arith.addf %scan3A_302, %add3A_368 : vector<16xf32>
        %mul3A_395 = arith.mulf %add3A_368, %add3A_368 : vector<16xf32>
        %add3A_396 = arith.addf %scan3A_310, %mul3A_395 : vector<16xf32>
        %get3A_397 = arith.index_cast %scan3A_300 : i32 to index
        %get3A_398 = arith.constant 32 : index
        %get3A_399 = tpu.vector_load %arg20[%get3A_397, %get3A_398] {strides = array<i32>} : memref<40x128xf32, #tpu.memory_space<vmem>>, vector<1x16xf32>,
        %get3A_400 = vector.shape_cast %get3A_399 : vector<1x16xf32> to vector<16xf32>
        %get3A_401 = arith.index_cast %scan3A_300 : i32 to index
        %get3A_402 = arith.constant 32 : index
        %get3A_403 = tpu.vector_load %arg21[%get3A_401, %get3A_402] {strides = array<i32>} : memref<40x128xf32, #tpu.memory_space<vmem>>, vector<1x16xf32>,
        %get3A_404 = vector.shape_cast %get3A_403 : vector<1x16xf32> to vector<16xf32>
        %add3A_405 = arith.addf %get3A_400, %get3A_404 : vector<16xf32>
        %get3A_406 = arith.index_cast %scan3A_300 : i32 to index
        %get3A_407 = arith.constant 32 : index
        %get3A_408 = tpu.vector_load %arg22[%get3A_406, %get3A_407] {strides = array<i32>} : memref<40x128xf32, #tpu.memory_space<vmem>>, vector<1x16xf32>,
        %get3A_409 = vector.shape_cast %get3A_408 : vector<1x16xf32> to vector<16xf32>
        %add3A_410 = arith.addf %add3A_405, %get3A_409 : vector<16xf32>
        %neg3A_411 = arith.constant 0.000000e+00 : f32
        %neg3A_412 = vector.broadcast %neg3A_411 : f32 to vector<16xf32>
        %neg3A_413 = arith.subf %neg3A_412, %add3A_410 : vector<16xf32>
        %exp3A_414 = math.exp %neg3A_413 : vector<16xf32>
        %add3A_415 = arith.constant 1.000000e+00 : f32
        %add3A_416 = vector.broadcast %add3A_415 : f32 to vector<16xf32>
        %add3A_417 = arith.addf %add3A_416, %exp3A_414 : vector<16xf32>
        %div3A_418 = arith.constant 1.000000e+00 : f32
        %div3A_419 = vector.broadcast %div3A_418 : f32 to vector<16xf32>
        %div3A_420 = arith.divf %div3A_419, %add3A_417 : vector<16xf32>
        %get3A_421 = arith.index_cast %scan3A_300 : i32 to index
        %get3A_422 = arith.constant 32 : index
        %get3A_423 = tpu.vector_load %arg23[%get3A_421, %get3A_422] {strides = array<i32>} : memref<40x128xf32, #tpu.memory_space<vmem>>, vector<1x16xf32>,
        %get3A_424 = vector.shape_cast %get3A_423 : vector<1x16xf32> to vector<16xf32>
        %mul3A_425 = arith.mulf %div3A_420, %get3A_424 : vector<16xf32>
        %swap3A_426 = arith.index_cast %scan3A_300 : i32 to index
        %swap3A_427 = arith.constant 32 : index
        %swap3A_428 = tpu.vector_load %arg23[%swap3A_426, %swap3A_427] {strides = array<i32>} : memref<40x128xf32, #tpu.memory_space<vmem>>, vector<1x16xf32>,
        %swap3A_429 = vector.shape_cast %swap3A_428 : vector<1x16xf32> to vector<16xf32>
        %swap3A_430 = vector.shape_cast %mul3A_425 : vector<16xf32> to vector<1x16xf32>
        tpu.vector_store %arg23[%swap3A_426, %swap3A_427], %swap3A_430 {strides = array<i32>} : memref<40x128xf32, #tpu.memory_space<vmem>>, vector<1x16xf32>,
        %swap3A_431 = arith.index_cast %scan3A_300 : i32 to index
        %swap3A_432 = arith.constant 32 : index
        %swap3A_433 = tpu.vector_load %arg20[%swap3A_431, %swap3A_432] {strides = array<i32>} : memref<40x128xf32, #tpu.memory_space<vmem>>, vector<1x16xf32>,
        %swap3A_434 = vector.shape_cast %swap3A_433 : vector<1x16xf32> to vector<16xf32>
        %swap3A_435 = vector.shape_cast %add3A_410 : vector<16xf32> to vector<1x16xf32>
        tpu.vector_store %arg20[%swap3A_431, %swap3A_432], %swap3A_435 {strides = array<i32>} : memref<40x128xf32, #tpu.memory_space<vmem>>, vector<1x16xf32>,
        %add3A_436 = arith.addf %scan3A_303, %add3A_410 : vector<16xf32>
        %mul3A_437 = arith.mulf %add3A_410, %add3A_410 : vector<16xf32>
        %add3A_438 = arith.addf %scan3A_311, %mul3A_437 : vector<16xf32>
        %get3A_439 = arith.index_cast %scan3A_300 : i32 to index
        %get3A_440 = arith.constant 48 : index
        %get3A_441 = tpu.vector_load %arg20[%get3A_439, %get3A_440] {strides = array<i32>} : memref<40x128xf32, #tpu.memory_space<vmem>>, vector<1x16xf32>,
        %get3A_442 = vector.shape_cast %get3A_441 : vector<1x16xf32> to vector<16xf32>
        %get3A_443 = arith.index_cast %scan3A_300 : i32 to index
        %get3A_444 = arith.constant 48 : index
        %get3A_445 = tpu.vector_load %arg21[%get3A_443, %get3A_444] {strides = array<i32>} : memref<40x128xf32, #tpu.memory_space<vmem>>, vector<1x16xf32>,
        %get3A_446 = vector.shape_cast %get3A_445 : vector<1x16xf32> to vector<16xf32>
        %add3A_447 = arith.addf %get3A_442, %get3A_446 : vector<16xf32>
        %get3A_448 = arith.index_cast %scan3A_300 : i32 to index
        %get3A_449 = arith.constant 48 : index
        %get3A_450 = tpu.vector_load %arg22[%get3A_448, %get3A_449] {strides = array<i32>} : memref<40x128xf32, #tpu.memory_space<vmem>>, vector<1x16xf32>,
        %get3A_451 = vector.shape_cast %get3A_450 : vector<1x16xf32> to vector<16xf32>
        %add3A_452 = arith.addf %add3A_447, %get3A_451 : vector<16xf32>
        %neg3A_453 = arith.constant 0.000000e+00 : f32
        %neg3A_454 = vector.broadcast %neg3A_453 : f32 to vector<16xf32>
        %neg3A_455 = arith.subf %neg3A_454, %add3A_452 : vector<16xf32>
        %exp3A_456 = math.exp %neg3A_455 : vector<16xf32>
        %add3A_457 = arith.constant 1.000000e+00 : f32
        %add3A_458 = vector.broadcast %add3A_457 : f32 to vector<16xf32>
        %add3A_459 = arith.addf %add3A_458, %exp3A_456 : vector<16xf32>
        %div3A_460 = arith.constant 1.000000e+00 : f32
        %div3A_461 = vector.broadcast %div3A_460 : f32 to vector<16xf32>
        %div3A_462 = arith.divf %div3A_461, %add3A_459 : vector<16xf32>
        %get3A_463 = arith.index_cast %scan3A_300 : i32 to index
        %get3A_464 = arith.constant 48 : index
        %get3A_465 = tpu.vector_load %arg23[%get3A_463, %get3A_464] {strides = array<i32>} : memref<40x128xf32, #tpu.memory_space<vmem>>, vector<1x16xf32>,
        %get3A_466 = vector.shape_cast %get3A_465 : vector<1x16xf32> to vector<16xf32>
        %mul3A_467 = arith.mulf %div3A_462, %get3A_466 : vector<16xf32>
        %swap3A_468 = arith.index_cast %scan3A_300 : i32 to index
        %swap3A_469 = arith.constant 48 : index
        %swap3A_470 = tpu.vector_load %arg23[%swap3A_468, %swap3A_469] {strides = array<i32>} : memref<40x128xf32, #tpu.memory_space<vmem>>, vector<1x16xf32>,
        %swap3A_471 = vector.shape_cast %swap3A_470 : vector<1x16xf32> to vector<16xf32>
        %swap3A_472 = vector.shape_cast %mul3A_467 : vector<16xf32> to vector<1x16xf32>
        tpu.vector_store %arg23[%swap3A_468, %swap3A_469], %swap3A_472 {strides = array<i32>} : memref<40x128xf32, #tpu.memory_space<vmem>>, vector<1x16xf32>,
        %swap3A_473 = arith.index_cast %scan3A_300 : i32 to index
        %swap3A_474 = arith.constant 48 : index
        %swap3A_475 = tpu.vector_load %arg20[%swap3A_473, %swap3A_474] {strides = array<i32>} : memref<40x128xf32, #tpu.memory_space<vmem>>, vector<1x16xf32>,
        %swap3A_476 = vector.shape_cast %swap3A_475 : vector<1x16xf32> to vector<16xf32>
        %swap3A_477 = vector.shape_cast %add3A_452 : vector<16xf32> to vector<1x16xf32>
        tpu.vector_store %arg20[%swap3A_473, %swap3A_474], %swap3A_477 {strides = array<i32>} : memref<40x128xf32, #tpu.memory_space<vmem>>, vector<1x16xf32>,
        %add3A_478 = arith.addf %scan3A_304, %add3A_452 : vector<16xf32>
        %mul3A_479 = arith.mulf %add3A_452, %add3A_452 : vector<16xf32>
        %add3A_480 = arith.addf %scan3A_312, %mul3A_479 : vector<16xf32>
        %get3A_481 = arith.index_cast %scan3A_300 : i32 to index
        %get3A_482 = arith.constant 64 : index
        %get3A_483 = tpu.vector_load %arg20[%get3A_481, %get3A_482] {strides = array<i32>} : memref<40x128xf32, #tpu.memory_space<vmem>>, vector<1x16xf32>,
        %get3A_484 = vector.shape_cast %get3A_483 : vector<1x16xf32> to vector<16xf32>
        %get3A_485 = arith.index_cast %scan3A_300 : i32 to index
        %get3A_486 = arith.constant 64 : index
        %get3A_487 = tpu.vector_load %arg21[%get3A_485, %get3A_486] {strides = array<i32>} : memref<40x128xf32, #tpu.memory_space<vmem>>, vector<1x16xf32>,
        %get3A_488 = vector.shape_cast %get3A_487 : vector<1x16xf32> to vector<16xf32>
        %add3A_489 = arith.addf %get3A_484, %get3A_488 : vector<16xf32>
        %get3A_490 = arith.index_cast %scan3A_300 : i32 to index
        %get3A_491 = arith.constant 64 : index
        %get3A_492 = tpu.vector_load %arg22[%get3A_490, %get3A_491] {strides = array<i32>} : memref<40x128xf32, #tpu.memory_space<vmem>>, vector<1x16xf32>,
        %get3A_493 = vector.shape_cast %get3A_492 : vector<1x16xf32> to vector<16xf32>
        %add3A_494 = arith.addf %add3A_489, %get3A_493 : vector<16xf32>
        %neg3A_495 = arith.constant 0.000000e+00 : f32
        %neg3A_496 = vector.broadcast %neg3A_495 : f32 to vector<16xf32>
        %neg3A_497 = arith.subf %neg3A_496, %add3A_494 : vector<16xf32>
        %exp3A_498 = math.exp %neg3A_497 : vector<16xf32>
        %add3A_499 = arith.constant 1.000000e+00 : f32
        %add3A_500 = vector.broadcast %add3A_499 : f32 to vector<16xf32>
        %add3A_501 = arith.addf %add3A_500, %exp3A_498 : vector<16xf32>
        %div3A_502 = arith.constant 1.000000e+00 : f32
        %div3A_503 = vector.broadcast %div3A_502 : f32 to vector<16xf32>
        %div3A_504 = arith.divf %div3A_503, %add3A_501 : vector<16xf32>
        %get3A_505 = arith.index_cast %scan3A_300 : i32 to index
        %get3A_506 = arith.constant 64 : index
        %get3A_507 = tpu.vector_load %arg23[%get3A_505, %get3A_506] {strides = array<i32>} : memref<40x128xf32, #tpu.memory_space<vmem>>, vector<1x16xf32>,
        %get3A_508 = vector.shape_cast %get3A_507 : vector<1x16xf32> to vector<16xf32>
        %mul3A_509 = arith.mulf %div3A_504, %get3A_508 : vector<16xf32>
        %swap3A_510 = arith.index_cast %scan3A_300 : i32 to index
        %swap3A_511 = arith.constant 64 : index
        %swap3A_512 = tpu.vector_load %arg23[%swap3A_510, %swap3A_511] {strides = array<i32>} : memref<40x128xf32, #tpu.memory_space<vmem>>, vector<1x16xf32>,
        %swap3A_513 = vector.shape_cast %swap3A_512 : vector<1x16xf32> to vector<16xf32>
        %swap3A_514 = vector.shape_cast %mul3A_509 : vector<16xf32> to vector<1x16xf32>
        tpu.vector_store %arg23[%swap3A_510, %swap3A_511], %swap3A_514 {strides = array<i32>} : memref<40x128xf32, #tpu.memory_space<vmem>>, vector<1x16xf32>,
        %swap3A_515 = arith.index_cast %scan3A_300 : i32 to index
        %swap3A_516 = arith.constant 64 : index
        %swap3A_517 = tpu.vector_load %arg20[%swap3A_515, %swap3A_516] {strides = array<i32>} : memref<40x128xf32, #tpu.memory_space<vmem>>, vector<1x16xf32>,
        %swap3A_518 = vector.shape_cast %swap3A_517 : vector<1x16xf32> to vector<16xf32>
        %swap3A_519 = vector.shape_cast %add3A_494 : vector<16xf32> to vector<1x16xf32>
        tpu.vector_store %arg20[%swap3A_515, %swap3A_516], %swap3A_519 {strides = array<i32>} : memref<40x128xf32, #tpu.memory_space<vmem>>, vector<1x16xf32>,
        %add3A_520 = arith.addf %scan3A_305, %add3A_494 : vector<16xf32>
        %mul3A_521 = arith.mulf %add3A_494, %add3A_494 : vector<16xf32>
        %add3A_522 = arith.addf %scan3A_313, %mul3A_521 : vector<16xf32>
        %get3A_523 = arith.index_cast %scan3A_300 : i32 to index
        %get3A_524 = arith.constant 80 : index
        %get3A_525 = tpu.vector_load %arg20[%get3A_523, %get3A_524] {strides = array<i32>} : memref<40x128xf32, #tpu.memory_space<vmem>>, vector<1x16xf32>,
        %get3A_526 = vector.shape_cast %get3A_525 : vector<1x16xf32> to vector<16xf32>
        %get3A_527 = arith.index_cast %scan3A_300 : i32 to index
        %get3A_528 = arith.constant 80 : index
        %get3A_529 = tpu.vector_load %arg21[%get3A_527, %get3A_528] {strides = array<i32>} : memref<40x128xf32, #tpu.memory_space<vmem>>, vector<1x16xf32>,
        %get3A_530 = vector.shape_cast %get3A_529 : vector<1x16xf32> to vector<16xf32>
        %add3A_531 = arith.addf %get3A_526, %get3A_530 : vector<16xf32>
        %get3A_532 = arith.index_cast %scan3A_300 : i32 to index
        %get3A_533 = arith.constant 80 : index
        %get3A_534 = tpu.vector_load %arg22[%get3A_532, %get3A_533] {strides = array<i32>} : memref<40x128xf32, #tpu.memory_space<vmem>>, vector<1x16xf32>,
        %get3A_535 = vector.shape_cast %get3A_534 : vector<1x16xf32> to vector<16xf32>
        %add3A_536 = arith.addf %add3A_531, %get3A_535 : vector<16xf32>
        %neg3A_537 = arith.constant 0.000000e+00 : f32
        %neg3A_538 = vector.broadcast %neg3A_537 : f32 to vector<16xf32>
        %neg3A_539 = arith.subf %neg3A_538, %add3A_536 : vector<16xf32>
        %exp3A_540 = math.exp %neg3A_539 : vector<16xf32>
        %add3A_541 = arith.constant 1.000000e+00 : f32
        %add3A_542 = vector.broadcast %add3A_541 : f32 to vector<16xf32>
        %add3A_543 = arith.addf %add3A_542, %exp3A_540 : vector<16xf32>
        %div3A_544 = arith.constant 1.000000e+00 : f32
        %div3A_545 = vector.broadcast %div3A_544 : f32 to vector<16xf32>
        %div3A_546 = arith.divf %div3A_545, %add3A_543 : vector<16xf32>
        %get3A_547 = arith.index_cast %scan3A_300 : i32 to index
        %get3A_548 = arith.constant 80 : index
        %get3A_549 = tpu.vector_load %arg23[%get3A_547, %get3A_548] {strides = array<i32>} : memref<40x128xf32, #tpu.memory_space<vmem>>, vector<1x16xf32>,
        %get3A_550 = vector.shape_cast %get3A_549 : vector<1x16xf32> to vector<16xf32>
        %mul3A_551 = arith.mulf %div3A_546, %get3A_550 : vector<16xf32>
        %swap3A_552 = arith.index_cast %scan3A_300 : i32 to index
        %swap3A_553 = arith.constant 80 : index
        %swap3A_554 = tpu.vector_load %arg23[%swap3A_552, %swap3A_553] {strides = array<i32>} : memref<40x128xf32, #tpu.memory_space<vmem>>, vector<1x16xf32>,
        %swap3A_555 = vector.shape_cast %swap3A_554 : vector<1x16xf32> to vector<16xf32>
        %swap3A_556 = vector.shape_cast %mul3A_551 : vector<16xf32> to vector<1x16xf32>
        tpu.vector_store %arg23[%swap3A_552, %swap3A_553], %swap3A_556 {strides = array<i32>} : memref<40x128xf32, #tpu.memory_space<vmem>>, vector<1x16xf32>,
        %swap3A_557 = arith.index_cast %scan3A_300 : i32 to index
        %swap3A_558 = arith.constant 80 : index
        %swap3A_559 = tpu.vector_load %arg20[%swap3A_557, %swap3A_558] {strides = array<i32>} : memref<40x128xf32, #tpu.memory_space<vmem>>, vector<1x16xf32>,
        %swap3A_560 = vector.shape_cast %swap3A_559 : vector<1x16xf32> to vector<16xf32>
        %swap3A_561 = vector.shape_cast %add3A_536 : vector<16xf32> to vector<1x16xf32>
        tpu.vector_store %arg20[%swap3A_557, %swap3A_558], %swap3A_561 {strides = array<i32>} : memref<40x128xf32, #tpu.memory_space<vmem>>, vector<1x16xf32>,
        %add3A_562 = arith.addf %scan3A_306, %add3A_536 : vector<16xf32>
        %mul3A_563 = arith.mulf %add3A_536, %add3A_536 : vector<16xf32>
        %add3A_564 = arith.addf %scan3A_314, %mul3A_563 : vector<16xf32>
        %get3A_565 = arith.index_cast %scan3A_300 : i32 to index
        %get3A_566 = arith.constant 96 : index
        %get3A_567 = tpu.vector_load %arg20[%get3A_565, %get3A_566] {strides = array<i32>} : memref<40x128xf32, #tpu.memory_space<vmem>>, vector<1x16xf32>,
        %get3A_568 = vector.shape_cast %get3A_567 : vector<1x16xf32> to vector<16xf32>
        %get3A_569 = arith.index_cast %scan3A_300 : i32 to index
        %get3A_570 = arith.constant 96 : index
        %get3A_571 = tpu.vector_load %arg21[%get3A_569, %get3A_570] {strides = array<i32>} : memref<40x128xf32, #tpu.memory_space<vmem>>, vector<1x16xf32>,
        %get3A_572 = vector.shape_cast %get3A_571 : vector<1x16xf32> to vector<16xf32>
        %add3A_573 = arith.addf %get3A_568, %get3A_572 : vector<16xf32>
        %get3A_574 = arith.index_cast %scan3A_300 : i32 to index
        %get3A_575 = arith.constant 96 : index
        %get3A_576 = tpu.vector_load %arg22[%get3A_574, %get3A_575] {strides = array<i32>} : memref<40x128xf32, #tpu.memory_space<vmem>>, vector<1x16xf32>,
        %get3A_577 = vector.shape_cast %get3A_576 : vector<1x16xf32> to vector<16xf32>
        %add3A_578 = arith.addf %add3A_573, %get3A_577 : vector<16xf32>
        %neg3A_579 = arith.constant 0.000000e+00 : f32
        %neg3A_580 = vector.broadcast %neg3A_579 : f32 to vector<16xf32>
        %neg3A_581 = arith.subf %neg3A_580, %add3A_578 : vector<16xf32>
        %exp3A_582 = math.exp %neg3A_581 : vector<16xf32>
        %add3A_583 = arith.constant 1.000000e+00 : f32
        %add3A_584 = vector.broadcast %add3A_583 : f32 to vector<16xf32>
        %add3A_585 = arith.addf %add3A_584, %exp3A_582 : vector<16xf32>
        %div3A_586 = arith.constant 1.000000e+00 : f32
        %div3A_587 = vector.broadcast %div3A_586 : f32 to vector<16xf32>
        %div3A_588 = arith.divf %div3A_587, %add3A_585 : vector<16xf32>
        %get3A_589 = arith.index_cast %scan3A_300 : i32 to index
        %get3A_590 = arith.constant 96 : index
        %get3A_591 = tpu.vector_load %arg23[%get3A_589, %get3A_590] {strides = array<i32>} : memref<40x128xf32, #tpu.memory_space<vmem>>, vector<1x16xf32>,
        %get3A_592 = vector.shape_cast %get3A_591 : vector<1x16xf32> to vector<16xf32>
        %mul3A_593 = arith.mulf %div3A_588, %get3A_592 : vector<16xf32>
        %swap3A_594 = arith.index_cast %scan3A_300 : i32 to index
        %swap3A_595 = arith.constant 96 : index
        %swap3A_596 = tpu.vector_load %arg23[%swap3A_594, %swap3A_595] {strides = array<i32>} : memref<40x128xf32, #tpu.memory_space<vmem>>, vector<1x16xf32>,
        %swap3A_597 = vector.shape_cast %swap3A_596 : vector<1x16xf32> to vector<16xf32>
        %swap3A_598 = vector.shape_cast %mul3A_593 : vector<16xf32> to vector<1x16xf32>
        tpu.vector_store %arg23[%swap3A_594, %swap3A_595], %swap3A_598 {strides = array<i32>} : memref<40x128xf32, #tpu.memory_space<vmem>>, vector<1x16xf32>,
        %swap3A_599 = arith.index_cast %scan3A_300 : i32 to index
        %swap3A_600 = arith.constant 96 : index
        %swap3A_601 = tpu.vector_load %arg20[%swap3A_599, %swap3A_600] {strides = array<i32>} : memref<40x128xf32, #tpu.memory_space<vmem>>, vector<1x16xf32>,
        %swap3A_602 = vector.shape_cast %swap3A_601 : vector<1x16xf32> to vector<16xf32>
        %swap3A_603 = vector.shape_cast %add3A_578 : vector<16xf32> to vector<1x16xf32>
        tpu.vector_store %arg20[%swap3A_599, %swap3A_600], %swap3A_603 {strides = array<i32>} : memref<40x128xf32, #tpu.memory_space<vmem>>, vector<1x16xf32>,
        %add3A_604 = arith.addf %scan3A_307, %add3A_578 : vector<16xf32>
        %mul3A_605 = arith.mulf %add3A_578, %add3A_578 : vector<16xf32>
        %add3A_606 = arith.addf %scan3A_315, %mul3A_605 : vector<16xf32>
        %get3A_607 = arith.index_cast %scan3A_300 : i32 to index
        %get3A_608 = arith.constant 112 : index
        %get3A_609 = tpu.vector_load %arg20[%get3A_607, %get3A_608] {strides = array<i32>} : memref<40x128xf32, #tpu.memory_space<vmem>>, vector<1x16xf32>,
        %get3A_610 = vector.shape_cast %get3A_609 : vector<1x16xf32> to vector<16xf32>
        %get3A_611 = arith.index_cast %scan3A_300 : i32 to index
        %get3A_612 = arith.constant 112 : index
        %get3A_613 = tpu.vector_load %arg21[%get3A_611, %get3A_612] {strides = array<i32>} : memref<40x128xf32, #tpu.memory_space<vmem>>, vector<1x16xf32>,
        %get3A_614 = vector.shape_cast %get3A_613 : vector<1x16xf32> to vector<16xf32>
        %add3A_615 = arith.addf %get3A_610, %get3A_614 : vector<16xf32>
        %get3A_616 = arith.index_cast %scan3A_300 : i32 to index
        %get3A_617 = arith.constant 112 : index
        %get3A_618 = tpu.vector_load %arg22[%get3A_616, %get3A_617] {strides = array<i32>} : memref<40x128xf32, #tpu.memory_space<vmem>>, vector<1x16xf32>,
        %get3A_619 = vector.shape_cast %get3A_618 : vector<1x16xf32> to vector<16xf32>
        %add3A_620 = arith.addf %add3A_615, %get3A_619 : vector<16xf32>
        %neg3A_621 = arith.constant 0.000000e+00 : f32
        %neg3A_622 = vector.broadcast %neg3A_621 : f32 to vector<16xf32>
        %neg3A_623 = arith.subf %neg3A_622, %add3A_620 : vector<16xf32>
        %exp3A_624 = math.exp %neg3A_623 : vector<16xf32>
        %add3A_625 = arith.constant 1.000000e+00 : f32
        %add3A_626 = vector.broadcast %add3A_625 : f32 to vector<16xf32>
        %add3A_627 = arith.addf %add3A_626, %exp3A_624 : vector<16xf32>
        %div3A_628 = arith.constant 1.000000e+00 : f32
        %div3A_629 = vector.broadcast %div3A_628 : f32 to vector<16xf32>
        %div3A_630 = arith.divf %div3A_629, %add3A_627 : vector<16xf32>
        %get3A_631 = arith.index_cast %scan3A_300 : i32 to index
        %get3A_632 = arith.constant 112 : index
        %get3A_633 = tpu.vector_load %arg23[%get3A_631, %get3A_632] {strides = array<i32>} : memref<40x128xf32, #tpu.memory_space<vmem>>, vector<1x16xf32>,
        %get3A_634 = vector.shape_cast %get3A_633 : vector<1x16xf32> to vector<16xf32>
        %mul3A_635 = arith.mulf %div3A_630, %get3A_634 : vector<16xf32>
        %swap3A_636 = arith.index_cast %scan3A_300 : i32 to index
        %swap3A_637 = arith.constant 112 : index
        %swap3A_638 = tpu.vector_load %arg23[%swap3A_636, %swap3A_637] {strides = array<i32>} : memref<40x128xf32, #tpu.memory_space<vmem>>, vector<1x16xf32>,
        %swap3A_639 = vector.shape_cast %swap3A_638 : vector<1x16xf32> to vector<16xf32>
        %swap3A_640 = vector.shape_cast %mul3A_635 : vector<16xf32> to vector<1x16xf32>
        tpu.vector_store %arg23[%swap3A_636, %swap3A_637], %swap3A_640 {strides = array<i32>} : memref<40x128xf32, #tpu.memory_space<vmem>>, vector<1x16xf32>,
        %swap3A_641 = arith.index_cast %scan3A_300 : i32 to index
        %swap3A_642 = arith.constant 112 : index
        %swap3A_643 = tpu.vector_load %arg20[%swap3A_641, %swap3A_642] {strides = array<i32>} : memref<40x128xf32, #tpu.memory_space<vmem>>, vector<1x16xf32>,
        %swap3A_644 = vector.shape_cast %swap3A_643 : vector<1x16xf32> to vector<16xf32>
        %swap3A_645 = vector.shape_cast %add3A_620 : vector<16xf32> to vector<1x16xf32>
        tpu.vector_store %arg20[%swap3A_641, %swap3A_642], %swap3A_645 {strides = array<i32>} : memref<40x128xf32, #tpu.memory_space<vmem>>, vector<1x16xf32>,
        %add3A_646 = arith.addf %scan3A_308, %add3A_620 : vector<16xf32>
        %mul3A_647 = arith.mulf %add3A_620, %add3A_620 : vector<16xf32>
        %add3A_648 = arith.addf %scan3A_316, %mul3A_647 : vector<16xf32>
        scf.yield %add3A_352, %add3A_394, %add3A_436, %add3A_478, %add3A_520, %add3A_562, %add3A_604, %add3A_646, %add3A_354, %add3A_396, %add3A_438, %add3A_480, %add3A_522, %add3A_564, %add3A_606, %add3A_648 : vector<16xf32>, vector<16xf32>, vector<16xf32>, vector<16xf32>, vector<16xf32>, vector<16xf32>, vector<16xf32>, vector<16xf32>, vector<16xf32>, vector<16xf32>, vector<16xf32>, vector<16xf32>, vector<16xf32>, vector<16xf32>, vector<16xf32>, vector<16xf32>
      }
      %scan3A_281 = arith.constant 40 : i32
      %mul3A_282 = arith.constant 2 : i32
      %mul3A_283 = arith.muli %mul3A_282, %scan3A_168 : i32
      %add3A_284 = arith.constant 1 : i32
      %add3A_285 = arith.addi %mul3A_283, %add3A_284 : i32
      %mul3A_286 = arith.constant 32 : i32
      %mul3A_287 = arith.muli %add3A_285, %mul3A_286 : i32
      %add3A_288 = arith.addi %add3A, %mul3A_287 : i32
      %mul3A_289 = arith.constant 40 : i32
      %mul3A_290 = arith.muli %add3A_288, %mul3A_289 : i32
      %dma_start3A_291 = arith.constant 0 : i32
      %dma_start3A_292 = tpu.memref_slice %arg9[%mul3A_290, %dma_start3A_291] : memref<158720x128xf32, #tpu.memory_space<hbm>> -> memref<40x128xf32, #tpu.memory_space<hbm>>
      %dma_start3A_293 = arith.constant 0 : i32
      %dma_start3A_294 = tpu.memref_slice %arg9[%mul3A_290, %dma_start3A_293] : memref<158720x128xf32, #tpu.memory_space<hbm>> -> memref<40x128xf32, #tpu.memory_space<hbm>>
      tpu.enqueue_dma source(%arg20 : memref<40x128xf32, #tpu.memory_space<vmem>>) target(%dma_start3A_294 : memref<40x128xf32, #tpu.memory_space<hbm>>) target_semaphore(%arg32 : memref<!tpu.dma_semaphore, #tpu.memory_space<semaphore_mem>>)
      "tpu.region"() ({
        %run_scoped3A_300 = tpu.sem_alloc : memref<!tpu.dma_semaphore, #tpu.memory_space<semaphore_mem>>
        %dma_start3A_301 = arith.constant 0 : i32
        %dma_start3A_302 = arith.constant 0 : i32
        %dma_start3A_303 = tpu.memref_slice %arg26[%dma_start3A_301, %dma_start3A_302] : memref<10000x128xf32, #tpu.memory_space<vmem_shared>> -> memref<10000x128xf32, #tpu.memory_space<vmem_shared>>
        tpu.enqueue_indirect_dma source(%arg23 : memref<40x128xf32, #tpu.memory_space<vmem>>) target(%dma_start3A_303 : memref<10000x128xf32, #tpu.memory_space<vmem_shared>>) offsets(%arg19 : memref<40xi32, #tpu.memory_space<vmem>>) semaphore(%run_scoped3A_300 : memref<!tpu.dma_semaphore, #tpu.memory_space<semaphore_mem>>) {add = true}
        %dma_wait3A_304 = arith.constant 0 : i32
        %dma_wait3A_305 = arith.constant 0 : i32
        %dma_wait3A_306 = tpu.memref_slice %arg26[%dma_wait3A_304, %dma_wait3A_305] : memref<10000x128xf32, #tpu.memory_space<vmem_shared>> -> memref<10000x128xf32, #tpu.memory_space<vmem_shared>>
        tpu.wait_indirect_dma semaphore(%run_scoped3A_300 : memref<!tpu.dma_semaphore, #tpu.memory_space<semaphore_mem>>) src(%arg23 : memref<40x128xf32, #tpu.memory_space<vmem>>) dst(%dma_wait3A_306 : memref<10000x128xf32, #tpu.memory_space<vmem_shared>>)
        tpu.yield
      }) : () -> ()
      %lt3A_295 = arith.constant 61 : i32
      %lt3A_296 = arith.cmpi slt, %scan3A_168, %lt3A_295 : i32
      %convert_element_type3A_297 = arith.extui %lt3A_296 : i1 to i32
      %cond3A_298 = arith.constant 0 : i32
      %cond3A_299 = arith.cmpi ne, %convert_element_type3A_297, %cond3A_298 : i32
      scf.if %cond3A_299 {
        %mul3A_300 = arith.constant 2 : i32
        %mul3A_301 = arith.muli %mul3A_300, %scan3A_168 : i32
        %add3A_302 = arith.constant 3 : i32
        %add3A_303 = arith.addi %mul3A_301, %add3A_302 : i32
        %mul3A_304 = arith.constant 32 : i32
        %mul3A_305 = arith.muli %add3A_303, %mul3A_304 : i32
        %add3A_306 = arith.addi %add3A, %mul3A_305 : i32
        %mul3A_307 = arith.constant 40 : i32
        %mul3A_308 = arith.muli %add3A_306, %mul3A_307 : i32
        %dma_start3A_309 = tpu.memref_slice %arg6[%mul3A_308] : memref<158720xi32, #tpu.memory_space<hbm>> -> memref<40xi32, #tpu.memory_space<hbm>>
        %dma_start3A_310 = tpu.memref_slice %arg6[%mul3A_308] : memref<158720xi32, #tpu.memory_space<hbm>> -> memref<40xi32, #tpu.memory_space<hbm>>
        tpu.enqueue_dma source(%dma_start3A_310 : memref<40xi32, #tpu.memory_space<hbm>>) target(%arg18 : memref<40xi32, #tpu.memory_space<vmem>>) target_semaphore(%arg28 : memref<!tpu.dma_semaphore, #tpu.memory_space<semaphore_mem>>)
        %dma_start3A_311 = tpu.memref_slice %arg7[%mul3A_308] : memref<158720xi32, #tpu.memory_space<hbm>> -> memref<40xi32, #tpu.memory_space<hbm>>
        %dma_start3A_312 = tpu.memref_slice %arg7[%mul3A_308] : memref<158720xi32, #tpu.memory_space<hbm>> -> memref<40xi32, #tpu.memory_space<hbm>>
        tpu.enqueue_dma source(%dma_start3A_312 : memref<40xi32, #tpu.memory_space<hbm>>) target(%arg19 : memref<40xi32, #tpu.memory_space<vmem>>) target_semaphore(%arg28 : memref<!tpu.dma_semaphore, #tpu.memory_space<semaphore_mem>>)
      } else {
      }
      scf.yield %scan3A_280#0, %scan3A_280#1, %scan3A_280#2, %scan3A_280#3, %scan3A_280#4, %scan3A_280#5, %scan3A_280#6, %scan3A_280#7, %scan3A_280#8, %scan3A_280#9, %scan3A_280#10, %scan3A_280#11, %scan3A_280#12, %scan3A_280#13, %scan3A_280#14, %scan3A_280#15 : vector<16xf32>, vector<16xf32>, vector<16xf32>, vector<16xf32>, vector<16xf32>, vector<16xf32>, vector<16xf32>, vector<16xf32>, vector<16xf32>, vector<16xf32>, vector<16xf32>, vector<16xf32>, vector<16xf32>, vector<16xf32>, vector<16xf32>, vector<16xf32>
    }
    %scan3A_77 = arith.constant 62 : i32
    %dma_wait3A_78 = arith.constant 0 : i32
    %dma_wait3A_79 = arith.constant 0 : i32
    %dma_wait3A_80 = tpu.memref_slice %arg9[%dma_wait3A_78, %dma_wait3A_79] : memref<158720x128xf32, #tpu.memory_space<hbm>> -> memref<40x128xf32, #tpu.memory_space<hbm>>
    %dma_wait3A_81 = arith.constant 0 : i32
    %dma_wait3A_82 = arith.constant 0 : i32
    %dma_wait3A_83 = tpu.memref_slice %arg9[%dma_wait3A_81, %dma_wait3A_82] : memref<158720x128xf32, #tpu.memory_space<hbm>> -> memref<40x128xf32, #tpu.memory_space<hbm>>
    tpu.wait_dma2 semaphore(%arg31 : memref<!tpu.dma_semaphore, #tpu.memory_space<semaphore_mem>>) src(%arg14 : memref<40x128xf32, #tpu.memory_space<vmem>>) dst(%dma_wait3A_83 : memref<40x128xf32, #tpu.memory_space<hbm>>)
    %dma_wait3A_84 = arith.constant 0 : i32
    %dma_wait3A_85 = arith.constant 0 : i32
    %dma_wait3A_86 = tpu.memref_slice %arg9[%dma_wait3A_84, %dma_wait3A_85] : memref<158720x128xf32, #tpu.memory_space<hbm>> -> memref<40x128xf32, #tpu.memory_space<hbm>>
    %dma_wait3A_87 = arith.constant 0 : i32
    %dma_wait3A_88 = arith.constant 0 : i32
    %dma_wait3A_89 = tpu.memref_slice %arg9[%dma_wait3A_87, %dma_wait3A_88] : memref<158720x128xf32, #tpu.memory_space<hbm>> -> memref<40x128xf32, #tpu.memory_space<hbm>>
    tpu.wait_dma2 semaphore(%arg32 : memref<!tpu.dma_semaphore, #tpu.memory_space<semaphore_mem>>) src(%arg20 : memref<40x128xf32, #tpu.memory_space<vmem>>) dst(%dma_wait3A_89 : memref<40x128xf32, #tpu.memory_space<hbm>>)
    %swap3A = arith.constant 0 : index
    %swap3A_90 = tpu.vector_load %arg24[%swap3A] {strides = array<i32>} : memref<128xf32, #tpu.memory_space<vmem>>, vector<16xf32>,
    %swap3A_91 = vector.shape_cast %swap3A_90 : vector<16xf32> to vector<16xf32>
    %swap3A_92 = vector.shape_cast %scan3A_76#0 : vector<16xf32> to vector<16xf32>
    tpu.vector_store %arg24[%swap3A], %swap3A_92 {strides = array<i32>} : memref<128xf32, #tpu.memory_space<vmem>>, vector<16xf32>,
    %swap3A_93 = arith.constant 0 : index
    %swap3A_94 = tpu.vector_load %arg25[%swap3A_93] {strides = array<i32>} : memref<128xf32, #tpu.memory_space<vmem>>, vector<16xf32>,
    %swap3A_95 = vector.shape_cast %swap3A_94 : vector<16xf32> to vector<16xf32>
    %swap3A_96 = vector.shape_cast %scan3A_76#8 : vector<16xf32> to vector<16xf32>
    tpu.vector_store %arg25[%swap3A_93], %swap3A_96 {strides = array<i32>} : memref<128xf32, #tpu.memory_space<vmem>>, vector<16xf32>,
    %swap3A_97 = arith.constant 16 : index
    %swap3A_98 = tpu.vector_load %arg24[%swap3A_97] {strides = array<i32>} : memref<128xf32, #tpu.memory_space<vmem>>, vector<16xf32>,
    %swap3A_99 = vector.shape_cast %swap3A_98 : vector<16xf32> to vector<16xf32>
    %swap3A_100 = vector.shape_cast %scan3A_76#1 : vector<16xf32> to vector<16xf32>
    tpu.vector_store %arg24[%swap3A_97], %swap3A_100 {strides = array<i32>} : memref<128xf32, #tpu.memory_space<vmem>>, vector<16xf32>,
    %swap3A_101 = arith.constant 16 : index
    %swap3A_102 = tpu.vector_load %arg25[%swap3A_101] {strides = array<i32>} : memref<128xf32, #tpu.memory_space<vmem>>, vector<16xf32>,
    %swap3A_103 = vector.shape_cast %swap3A_102 : vector<16xf32> to vector<16xf32>
    %swap3A_104 = vector.shape_cast %scan3A_76#9 : vector<16xf32> to vector<16xf32>
    tpu.vector_store %arg25[%swap3A_101], %swap3A_104 {strides = array<i32>} : memref<128xf32, #tpu.memory_space<vmem>>, vector<16xf32>,
    %swap3A_105 = arith.constant 32 : index
    %swap3A_106 = tpu.vector_load %arg24[%swap3A_105] {strides = array<i32>} : memref<128xf32, #tpu.memory_space<vmem>>, vector<16xf32>,
    %swap3A_107 = vector.shape_cast %swap3A_106 : vector<16xf32> to vector<16xf32>
    %swap3A_108 = vector.shape_cast %scan3A_76#2 : vector<16xf32> to vector<16xf32>
    tpu.vector_store %arg24[%swap3A_105], %swap3A_108 {strides = array<i32>} : memref<128xf32, #tpu.memory_space<vmem>>, vector<16xf32>,
    %swap3A_109 = arith.constant 32 : index
    %swap3A_110 = tpu.vector_load %arg25[%swap3A_109] {strides = array<i32>} : memref<128xf32, #tpu.memory_space<vmem>>, vector<16xf32>,
    %swap3A_111 = vector.shape_cast %swap3A_110 : vector<16xf32> to vector<16xf32>
    %swap3A_112 = vector.shape_cast %scan3A_76#10 : vector<16xf32> to vector<16xf32>
    tpu.vector_store %arg25[%swap3A_109], %swap3A_112 {strides = array<i32>} : memref<128xf32, #tpu.memory_space<vmem>>, vector<16xf32>,
    %swap3A_113 = arith.constant 48 : index
    %swap3A_114 = tpu.vector_load %arg24[%swap3A_113] {strides = array<i32>} : memref<128xf32, #tpu.memory_space<vmem>>, vector<16xf32>,
    %swap3A_115 = vector.shape_cast %swap3A_114 : vector<16xf32> to vector<16xf32>
    %swap3A_116 = vector.shape_cast %scan3A_76#3 : vector<16xf32> to vector<16xf32>
    tpu.vector_store %arg24[%swap3A_113], %swap3A_116 {strides = array<i32>} : memref<128xf32, #tpu.memory_space<vmem>>, vector<16xf32>,
    %swap3A_117 = arith.constant 48 : index
    %swap3A_118 = tpu.vector_load %arg25[%swap3A_117] {strides = array<i32>} : memref<128xf32, #tpu.memory_space<vmem>>, vector<16xf32>,
    %swap3A_119 = vector.shape_cast %swap3A_118 : vector<16xf32> to vector<16xf32>
    %swap3A_120 = vector.shape_cast %scan3A_76#11 : vector<16xf32> to vector<16xf32>
    tpu.vector_store %arg25[%swap3A_117], %swap3A_120 {strides = array<i32>} : memref<128xf32, #tpu.memory_space<vmem>>, vector<16xf32>,
    %swap3A_121 = arith.constant 64 : index
    %swap3A_122 = tpu.vector_load %arg24[%swap3A_121] {strides = array<i32>} : memref<128xf32, #tpu.memory_space<vmem>>, vector<16xf32>,
    %swap3A_123 = vector.shape_cast %swap3A_122 : vector<16xf32> to vector<16xf32>
    %swap3A_124 = vector.shape_cast %scan3A_76#4 : vector<16xf32> to vector<16xf32>
    tpu.vector_store %arg24[%swap3A_121], %swap3A_124 {strides = array<i32>} : memref<128xf32, #tpu.memory_space<vmem>>, vector<16xf32>,
    %swap3A_125 = arith.constant 64 : index
    %swap3A_126 = tpu.vector_load %arg25[%swap3A_125] {strides = array<i32>} : memref<128xf32, #tpu.memory_space<vmem>>, vector<16xf32>,
    %swap3A_127 = vector.shape_cast %swap3A_126 : vector<16xf32> to vector<16xf32>
    %swap3A_128 = vector.shape_cast %scan3A_76#12 : vector<16xf32> to vector<16xf32>
    tpu.vector_store %arg25[%swap3A_125], %swap3A_128 {strides = array<i32>} : memref<128xf32, #tpu.memory_space<vmem>>, vector<16xf32>,
    %swap3A_129 = arith.constant 80 : index
    %swap3A_130 = tpu.vector_load %arg24[%swap3A_129] {strides = array<i32>} : memref<128xf32, #tpu.memory_space<vmem>>, vector<16xf32>,
    %swap3A_131 = vector.shape_cast %swap3A_130 : vector<16xf32> to vector<16xf32>
    %swap3A_132 = vector.shape_cast %scan3A_76#5 : vector<16xf32> to vector<16xf32>
    tpu.vector_store %arg24[%swap3A_129], %swap3A_132 {strides = array<i32>} : memref<128xf32, #tpu.memory_space<vmem>>, vector<16xf32>,
    %swap3A_133 = arith.constant 80 : index
    %swap3A_134 = tpu.vector_load %arg25[%swap3A_133] {strides = array<i32>} : memref<128xf32, #tpu.memory_space<vmem>>, vector<16xf32>,
    %swap3A_135 = vector.shape_cast %swap3A_134 : vector<16xf32> to vector<16xf32>
    %swap3A_136 = vector.shape_cast %scan3A_76#13 : vector<16xf32> to vector<16xf32>
    tpu.vector_store %arg25[%swap3A_133], %swap3A_136 {strides = array<i32>} : memref<128xf32, #tpu.memory_space<vmem>>, vector<16xf32>,
    %swap3A_137 = arith.constant 96 : index
    %swap3A_138 = tpu.vector_load %arg24[%swap3A_137] {strides = array<i32>} : memref<128xf32, #tpu.memory_space<vmem>>, vector<16xf32>,
    %swap3A_139 = vector.shape_cast %swap3A_138 : vector<16xf32> to vector<16xf32>
    %swap3A_140 = vector.shape_cast %scan3A_76#6 : vector<16xf32> to vector<16xf32>
    tpu.vector_store %arg24[%swap3A_137], %swap3A_140 {strides = array<i32>} : memref<128xf32, #tpu.memory_space<vmem>>, vector<16xf32>,
    %swap3A_141 = arith.constant 96 : index
    %swap3A_142 = tpu.vector_load %arg25[%swap3A_141] {strides = array<i32>} : memref<128xf32, #tpu.memory_space<vmem>>, vector<16xf32>,
    %swap3A_143 = vector.shape_cast %swap3A_142 : vector<16xf32> to vector<16xf32>
    %swap3A_144 = vector.shape_cast %scan3A_76#14 : vector<16xf32> to vector<16xf32>
    tpu.vector_store %arg25[%swap3A_141], %swap3A_144 {strides = array<i32>} : memref<128xf32, #tpu.memory_space<vmem>>, vector<16xf32>,
    %swap3A_145 = arith.constant 112 : index
    %swap3A_146 = tpu.vector_load %arg24[%swap3A_145] {strides = array<i32>} : memref<128xf32, #tpu.memory_space<vmem>>, vector<16xf32>,
    %swap3A_147 = vector.shape_cast %swap3A_146 : vector<16xf32> to vector<16xf32>
    %swap3A_148 = vector.shape_cast %scan3A_76#7 : vector<16xf32> to vector<16xf32>
    tpu.vector_store %arg24[%swap3A_145], %swap3A_148 {strides = array<i32>} : memref<128xf32, #tpu.memory_space<vmem>>, vector<16xf32>,
    %swap3A_149 = arith.constant 112 : index
    %swap3A_150 = tpu.vector_load %arg25[%swap3A_149] {strides = array<i32>} : memref<128xf32, #tpu.memory_space<vmem>>, vector<16xf32>,
    %swap3A_151 = vector.shape_cast %swap3A_150 : vector<16xf32> to vector<16xf32>
    %swap3A_152 = vector.shape_cast %scan3A_76#15 : vector<16xf32> to vector<16xf32>
    tpu.vector_store %arg25[%swap3A_149], %swap3A_152 {strides = array<i32>} : memref<128xf32, #tpu.memory_space<vmem>>, vector<16xf32>,
    %mul3A_153 = arith.constant 128 : i32
    %mul3A_154 = arith.muli %add3A, %mul3A_153 : i32
    %run_scoped3A = arith.constant 0 : i32
    "tpu.region"() ({
      %run_scoped3A_168 = tpu.sem_alloc : memref<!tpu.dma_semaphore, #tpu.memory_space<semaphore_mem>>
      %dma_start3A_169 = tpu.memref_slice %arg10[%run_scoped3A, %mul3A_154] : memref<2x4096xf32, #tpu.memory_space<hbm>> -> memref<1x128xf32, #tpu.memory_space<hbm>>
      %dma_start3A_170 = tpu.memref_squeeze %dma_start3A_169 : memref<1x128xf32, #tpu.memory_space<hbm>> -> memref<128xf32, #tpu.memory_space<hbm>>
      %dma_start3A_171 = tpu.memref_slice %arg10[%run_scoped3A, %mul3A_154] : memref<2x4096xf32, #tpu.memory_space<hbm>> -> memref<1x128xf32, #tpu.memory_space<hbm>>
      %dma_start3A_172 = tpu.memref_squeeze %dma_start3A_171 : memref<1x128xf32, #tpu.memory_space<hbm>> -> memref<128xf32, #tpu.memory_space<hbm>>
      tpu.enqueue_dma source(%arg24 : memref<128xf32, #tpu.memory_space<vmem>>) target(%dma_start3A_172 : memref<128xf32, #tpu.memory_space<hbm>>) target_semaphore(%run_scoped3A_168 : memref<!tpu.dma_semaphore, #tpu.memory_space<semaphore_mem>>)
      %dma_wait3A_173 = tpu.memref_slice %arg10[%run_scoped3A, %mul3A_154] : memref<2x4096xf32, #tpu.memory_space<hbm>> -> memref<1x128xf32, #tpu.memory_space<hbm>>
      %dma_wait3A_174 = tpu.memref_squeeze %dma_wait3A_173 : memref<1x128xf32, #tpu.memory_space<hbm>> -> memref<128xf32, #tpu.memory_space<hbm>>
      %dma_wait3A_175 = tpu.memref_slice %arg10[%run_scoped3A, %mul3A_154] : memref<2x4096xf32, #tpu.memory_space<hbm>> -> memref<1x128xf32, #tpu.memory_space<hbm>>
      %dma_wait3A_176 = tpu.memref_squeeze %dma_wait3A_175 : memref<1x128xf32, #tpu.memory_space<hbm>> -> memref<128xf32, #tpu.memory_space<hbm>>
      tpu.wait_dma2 semaphore(%run_scoped3A_168 : memref<!tpu.dma_semaphore, #tpu.memory_space<semaphore_mem>>) src(%arg24 : memref<128xf32, #tpu.memory_space<vmem>>) dst(%dma_wait3A_176 : memref<128xf32, #tpu.memory_space<hbm>>)
      tpu.yield
    }) : () -> ()
    %mul3A_155 = arith.constant 128 : i32
    %mul3A_156 = arith.muli %add3A, %mul3A_155 : i32
    %run_scoped3A_157 = arith.constant 1 : i32
    "tpu.region"() ({
      %run_scoped3A_168 = tpu.sem_alloc : memref<!tpu.dma_semaphore, #tpu.memory_space<semaphore_mem>>
      %dma_start3A_169 = tpu.memref_slice %arg10[%run_scoped3A_157, %mul3A_156] : memref<2x4096xf32, #tpu.memory_space<hbm>> -> memref<1x128xf32, #tpu.memory_space<hbm>>
      %dma_start3A_170 = tpu.memref_squeeze %dma_start3A_169 : memref<1x128xf32, #tpu.memory_space<hbm>> -> memref<128xf32, #tpu.memory_space<hbm>>
      %dma_start3A_171 = tpu.memref_slice %arg10[%run_scoped3A_157, %mul3A_156] : memref<2x4096xf32, #tpu.memory_space<hbm>> -> memref<1x128xf32, #tpu.memory_space<hbm>>
      %dma_start3A_172 = tpu.memref_squeeze %dma_start3A_171 : memref<1x128xf32, #tpu.memory_space<hbm>> -> memref<128xf32, #tpu.memory_space<hbm>>
      tpu.enqueue_dma source(%arg25 : memref<128xf32, #tpu.memory_space<vmem>>) target(%dma_start3A_172 : memref<128xf32, #tpu.memory_space<hbm>>) target_semaphore(%run_scoped3A_168 : memref<!tpu.dma_semaphore, #tpu.memory_space<semaphore_mem>>)
      %dma_wait3A_173 = tpu.memref_slice %arg10[%run_scoped3A_157, %mul3A_156] : memref<2x4096xf32, #tpu.memory_space<hbm>> -> memref<1x128xf32, #tpu.memory_space<hbm>>
      %dma_wait3A_174 = tpu.memref_squeeze %dma_wait3A_173 : memref<1x128xf32, #tpu.memory_space<hbm>> -> memref<128xf32, #tpu.memory_space<hbm>>
      %dma_wait3A_175 = tpu.memref_slice %arg10[%run_scoped3A_157, %mul3A_156] : memref<2x4096xf32, #tpu.memory_space<hbm>> -> memref<1x128xf32, #tpu.memory_space<hbm>>
      %dma_wait3A_176 = tpu.memref_squeeze %dma_wait3A_175 : memref<1x128xf32, #tpu.memory_space<hbm>> -> memref<128xf32, #tpu.memory_space<hbm>>
      tpu.wait_dma2 semaphore(%run_scoped3A_168 : memref<!tpu.dma_semaphore, #tpu.memory_space<semaphore_mem>>) src(%arg25 : memref<128xf32, #tpu.memory_space<vmem>>) dst(%dma_wait3A_176 : memref<128xf32, #tpu.memory_space<hbm>>)
      tpu.yield
    }) : () -> ()
    %barrier3A_158 = arith.constant 0 : index
    tpu.barrier barrier_id(%barrier3A_158)
    %lt3A = arith.constant 15 : i32
    %lt3A_159 = arith.cmpi slt, %arg1, %lt3A : i32
    %convert_element_type3A_160 = arith.extui %lt3A_159 : i1 to i32
    %cond3A_161 = arith.constant 0 : i32
    %cond3A_162 = arith.cmpi ne, %convert_element_type3A_160, %cond3A_161 : i32
    scf.if %cond3A_162 {
      %mul3A_168 = arith.constant 632 : i32
      %mul3A_169 = arith.muli %arg1, %mul3A_168 : i32
      %mul3A_170 = arith.constant 632 : i32
      %mul3A_171 = arith.muli %arg1, %mul3A_170 : i32
      "tpu.region"() ({
        %run_scoped3A_172 = tpu.sem_alloc : memref<!tpu.dma_semaphore, #tpu.memory_space<semaphore_mem>>
        %dma_start3A_173 = arith.constant 0 : i32
        %dma_start3A_174 = tpu.memref_slice %arg11[%arg0, %mul3A_171, %dma_start3A_173] : memref<2x10000x128xf32, #tpu.memory_space<hbm>> -> memref<1x632x128xf32, #tpu.memory_space<hbm>>
        %dma_start3A_175 = tpu.memref_squeeze %dma_start3A_174 : memref<1x632x128xf32, #tpu.memory_space<hbm>> -> memref<632x128xf32, #tpu.memory_space<hbm>>
        %dma_start3A_176 = arith.constant 0 : i32
        %dma_start3A_177 = tpu.memref_slice %arg26[%mul3A_169, %dma_start3A_176] : memref<10000x128xf32, #tpu.memory_space<vmem_shared>> -> memref<632x128xf32, #tpu.memory_space<vmem_shared>>
        tpu.enqueue_dma source(%dma_start3A_177 : memref<632x128xf32, #tpu.memory_space<vmem_shared>>) target(%dma_start3A_175 : memref<632x128xf32, #tpu.memory_space<hbm>>) target_semaphore(%run_scoped3A_172 : memref<!tpu.dma_semaphore, #tpu.memory_space<semaphore_mem>>)
        %dma_wait3A_178 = arith.constant 0 : i32
        %dma_wait3A_179 = tpu.memref_slice %arg11[%arg0, %mul3A_171, %dma_wait3A_178] : memref<2x10000x128xf32, #tpu.memory_space<hbm>> -> memref<1x632x128xf32, #tpu.memory_space<hbm>>
        %dma_wait3A_180 = tpu.memref_squeeze %dma_wait3A_179 : memref<1x632x128xf32, #tpu.memory_space<hbm>> -> memref<632x128xf32, #tpu.memory_space<hbm>>
        %dma_wait3A_181 = arith.constant 0 : i32
        %dma_wait3A_182 = tpu.memref_slice %arg26[%mul3A_169, %dma_wait3A_181] : memref<10000x128xf32, #tpu.memory_space<vmem_shared>> -> memref<632x128xf32, #tpu.memory_space<vmem_shared>>
        tpu.wait_dma2 semaphore(%run_scoped3A_172 : memref<!tpu.dma_semaphore, #tpu.memory_space<semaphore_mem>>) src(%dma_wait3A_182 : memref<632x128xf32, #tpu.memory_space<vmem_shared>>) dst(%dma_wait3A_180 : memref<632x128xf32, #tpu.memory_space<hbm>>)
        tpu.yield
      }) : () -> ()
    } else {
    }
    %eq3A_163 = arith.constant 15 : i32
    %eq3A_164 = arith.cmpi eq, %arg1, %eq3A_163 : i32
    %convert_element_type3A_165 = arith.extui %eq3A_164 : i1 to i32
    %cond3A_166 = arith.constant 0 : i32
    %cond3A_167 = arith.cmpi ne, %convert_element_type3A_165, %cond3A_166 : i32
    scf.if %cond3A_167 {
      "tpu.region"() ({
        %run_scoped3A_168 = tpu.sem_alloc : memref<!tpu.dma_semaphore, #tpu.memory_space<semaphore_mem>>
        %dma_start3A_169 = arith.constant 9480 : i32
        %dma_start3A_170 = arith.constant 0 : i32
        %dma_start3A_171 = tpu.memref_slice %arg11[%arg0, %dma_start3A_169, %dma_start3A_170] : memref<2x10000x128xf32, #tpu.memory_space<hbm>> -> memref<1x520x128xf32, #tpu.memory_space<hbm>>
        %dma_start3A_172 = tpu.memref_squeeze %dma_start3A_171 : memref<1x520x128xf32, #tpu.memory_space<hbm>> -> memref<520x128xf32, #tpu.memory_space<hbm>>
        %dma_start3A_173 = arith.constant 9480 : i32
        %dma_start3A_174 = arith.constant 0 : i32
        %dma_start3A_175 = tpu.memref_slice %arg26[%dma_start3A_173, %dma_start3A_174] : memref<10000x128xf32, #tpu.memory_space<vmem_shared>> -> memref<520x128xf32, #tpu.memory_space<vmem_shared>>
        tpu.enqueue_dma source(%dma_start3A_175 : memref<520x128xf32, #tpu.memory_space<vmem_shared>>) target(%dma_start3A_172 : memref<520x128xf32, #tpu.memory_space<hbm>>) target_semaphore(%run_scoped3A_168 : memref<!tpu.dma_semaphore, #tpu.memory_space<semaphore_mem>>)
        %dma_wait3A_176 = arith.constant 9480 : i32
        %dma_wait3A_177 = arith.constant 0 : i32
        %dma_wait3A_178 = tpu.memref_slice %arg11[%arg0, %dma_wait3A_176, %dma_wait3A_177] : memref<2x10000x128xf32, #tpu.memory_space<hbm>> -> memref<1x520x128xf32, #tpu.memory_space<hbm>>
        %dma_wait3A_179 = tpu.memref_squeeze %dma_wait3A_178 : memref<1x520x128xf32, #tpu.memory_space<hbm>> -> memref<520x128xf32, #tpu.memory_space<hbm>>
        %dma_wait3A_180 = arith.constant 9480 : i32
        %dma_wait3A_181 = arith.constant 0 : i32
        %dma_wait3A_182 = tpu.memref_slice %arg26[%dma_wait3A_180, %dma_wait3A_181] : memref<10000x128xf32, #tpu.memory_space<vmem_shared>> -> memref<520x128xf32, #tpu.memory_space<vmem_shared>>
        tpu.wait_dma2 semaphore(%run_scoped3A_168 : memref<!tpu.dma_semaphore, #tpu.memory_space<semaphore_mem>>) src(%dma_wait3A_182 : memref<520x128xf32, #tpu.memory_space<vmem_shared>>) dst(%dma_wait3A_179 : memref<520x128xf32, #tpu.memory_space<hbm>>)
        tpu.yield
      }) : () -> ()
    } else {
    }
    return
  }
}

</mosaic_0001>

<sc_bundles>
// kernel: _sc_edge.3.cloned.1.call-start
scs
__scs_entry_jumppad:
0x0: {  	(pc) =	sbr.rel $0x88, $3  }
0x1: {  	(tag) =	ssettag $0x0;
	lr =	simm.s32 $0x1  }
0x2: {  	[smem:$0x3F9A] =	sst lr;
	_ =	strace $0xD0000000  }
0x3: {  	_ = 	snop  }
0x4: {  	_ = 	snop  }
0x5: {  	_ = 	snop  }
0x6: {  	_ = 	snop  }
0x7: {  	_ = 	snop  }
__scs_overlays_trampoline_lowered:
0x8: {  	[smem:$0x3FA9] =	sst s0  }
0x9: {  	[smem:$0x3FAA] =	sst s1  }
0xa: {  	[smem:$0x3FAB] =	sst s2  }
0xb: {  	[smem:$0x3FAC] =	sst s3  }
0xc: {  	[smem:$0x3FAD] =	sst s4  }
0xd: {  	[smem:$0x3FAE] =	sst s5  }
0xe: {  	[smem:$0x3FAF] =	sst s6  }
0xf: {  	[smem:$0x3FB0] =	sst s7  }
0x10: {  	[smem:$0x3FB1] =	sst s8  }
0x11: {  	[smem:$0x3FB2] =	sst s9;
	s0 =	simm.s32 @!p0 $0x0  }
0x12: {  	s1 =	sld [smem:$0x3F98];
	s0 =	simm.s32 @p0 $0x1  }
0x13: {  	[smem:$0x3FB3] =	sst s0;
	s0 =	simm.s32 @!p1 $0x0  }
0x14: {  	s2 =	sld [smem:$0x3F97];
	s0 =	simm.s32 @p1 $0x1  }
0x15: {  	[smem:$0x3FB4] =	sst s0;
	s0 =	simm.s32 @!p2 $0x0  }
0x16: {  	s3 =	sld [smem:$0x3FDB];
	s0 =	simm.s32 @p2 $0x1  }
0x17: {  	s4 =	simm.s32 $0x1BF5;
	[smem:$0x3FB6] =	sst s0  }
0x18: {  	s0 =	sld [smem:$0x3F99];
	_ =	swait.ge [sflag:s4], $0x0  }
0x19: {  	s7 =	sld [smem:$0x3F9A]  }
0x1a: {  	s8 =	sadd.s32 $0xFFFFE003, lr  }
0x1b: {  	s9 =	sadd.s32 $0xFFFFFEF7, lr;
	s5 =	simm.s32 $0xFFFFFFFF;
	p2 =	slt.u32 s8, $0xFFFFF086  }
0x1c: {  	p1 =	slt.u32 s9, $0xF7A;
	s5 =	simm.s32 @!p2 $0x0  }
0x1d: {  	s5 =	simm.s32 @p1 $0x1;
	p0 =	seq.s32 s7, s2  }
0x1e: {  	s7 =	smul.u32 @!p0 $0xF7A, s2;
	p2 =	seq.s32 @!p0 s5, $0x0  }
0x1f: {  	s9 =	smul.u32 $0xF7A, s1;
	s8 =	simm.s32 @!p0 $0x1BF5;
	p2 =	por !p2, p0  }
0x20: {  	[sflag:s8] =	ssyncset.s32 @!p0 $0xFFFFF086;
	s6 =	sadd.s32 @!p0 s3, s7;
	s7 =	simm.s32 @!p0 $0x108  }
0x21: {  	s3 =	sadd.s32 s3, s9;
	s6 =	sadd.s32 @!p0 $0x88, s6;
	s7 =	simm.s32 @p2 $0x1082  }
0x22: {  	[simem:s7], [sflag:s8] =	dma.local @!p0 [hbm:s6], $0xF7A  }
0x23: {  	s9 =	sor.u32 $0xD0000000, s2;
	s6 =	simm.s32 $0x108;
	_ =	swait.ge @!p0 [sflag:s8], $0x0  }
0x24: {  	s3 =	sadd.s32 $0x88, s3;
	s6 =	simm.s32 @!p1 $0x1082;
	[sflag:s4] =	ssyncset.s32 $0xFFFFF086  }
0x25: {  	[simem:s6], [sflag:s4] =	dma.local [hbm:s3], $0xF7A  }
0x26: {  	[smem:$0x3F9A] =	sst s1;
	(tag) =	ssettag s2;
	_ =	strace s9  }
0x27: {  	s1 =	sld [smem:$0x3FAA]  }
0x28: {  	s2 =	sld [smem:$0x3FAB]  }
0x29: {  	s4 =	sld [smem:$0x3FAD]  }
0x2a: {  	p0 =	seq.s32 s5, $0x0;
	s5 =	sld [smem:$0x3FAE]  }
0x2b: {  	s6 =	sld [smem:$0x3FAF]  }
0x2c: {  	s7 =	sld [smem:$0x3FB0]  }
0x2d: {  	s3 =	simm.s32 $0x108;
	s8 =	sld [smem:$0x3FB1]  }
0x2e: {  	s3 =	simm.s32 @!p0 $0x1082;
	s9 =	sld [smem:$0x3FB2]  }
0x2f: {  	lr =	sadd.s32 s0, s3;
	s0 =	sld [smem:$0x3FA9]  }
0x30: {  	s3 =	sld [smem:$0x3FAC]  }
0x31: {  	[smem:$0x3FB5] =	sst s10  }
0x32: {  	s10 =	sld [smem:$0x3FB3];
	_ =	sdelay $0x3  }
0x33: {  	p0 =	seq.s32 s10, $0x1;
	s10 =	sld [smem:$0x3FB5];
	_ =	sdelay $0x3  }
0x34: {  	[smem:$0x3FB5] =	sst s10  }
0x35: {  	s10 =	sld [smem:$0x3FB4];
	_ =	sdelay $0x3  }
0x36: {  	p1 =	seq.s32 s10, $0x1;
	s10 =	sld [smem:$0x3FB5];
	_ =	sdelay $0x3  }
0x37: {  	[smem:$0x3FB5] =	sst s10  }
0x38: {  	s10 =	sld [smem:$0x3FB6]  }
0x39: {  	_ = 	snop;
	(pc) =	sbr.ind lr, $3  }
0x3a: {  	_ = 	snop  }
0x3b: {  	_ = 	snop  }
0x3c: {  	p2 =	seq.s32 s10, $0x1;
	s10 =	sld [smem:$0x3FB5]  }
0x3d: {  	_ =	shalt  }
0x3e: {  	_ =	shalt  }
0x3f: {  	_ =	shalt  }
0x40: {  	_ =	shalt  }
0x41: {  	_ =	shalt  }
0x42: {  	_ =	shalt  }
0x43: {  	_ =	shalt  }
0x44: {  	_ =	shalt  }
0x45: {  	_ =	shalt  }
0x46: {  	_ =	shalt  }
0x47: {  	_ =	shalt  }
0x48: {  	_ =	shalt  }
0x49: {  	_ =	shalt  }
0x4a: {  	_ =	shalt  }
0x4b: {  	_ =	shalt  }
0x4c: {  	_ =	shalt  }
0x4d: {  	_ =	shalt  }
0x4e: {  	_ =	shalt  }
0x4f: {  	_ =	shalt  }
0x50: {  	_ =	shalt  }
0x51: {  	_ =	shalt  }
0x52: {  	_ =	shalt  }
0x53: {  	_ =	shalt  }
0x54: {  	_ =	shalt  }
0x55: {  	_ =	shalt  }
0x56: {  	_ =	shalt  }
0x57: {  	_ =	shalt  }
0x58: {  	_ =	shalt  }
0x59: {  	_ =	shalt  }
0x5a: {  	_ =	shalt  }
0x5b: {  	_ =	shalt  }
0x5c: {  	_ =	shalt  }
0x5d: {  	_ =	shalt  }
0x5e: {  	_ =	shalt  }
0x5f: {  	_ =	shalt  }
0x60: {  	_ =	shalt  }
0x61: {  	_ =	shalt  }
0x62: {  	_ =	shalt  }
0x63: {  	_ =	shalt  }
0x64: {  	_ =	shalt  }
0x65: {  	_ =	shalt  }
0x66: {  	_ =	shalt  }
0x67: {  	_ =	shalt  }
0x68: {  	_ =	shalt  }
0x69: {  	_ =	shalt  }
0x6a: {  	_ =	shalt  }
0x6b: {  	_ =	shalt  }
0x6c: {  	_ =	shalt  }
0x6d: {  	_ =	shalt  }
0x6e: {  	_ =	shalt  }
0x6f: {  	_ =	shalt  }
0x70: {  	_ =	shalt  }
0x71: {  	_ =	shalt  }
0x72: {  	_ =	shalt  }
0x73: {  	_ =	shalt  }
0x74: {  	_ =	shalt  }
0x75: {  	_ =	shalt  }
0x76: {  	_ =	shalt  }
0x77: {  	_ =	shalt  }
0x78: {  	_ =	shalt  }
0x79: {  	_ =	shalt  }
0x7a: {  	_ =	shalt  }
0x7b: {  	_ =	shalt  }
0x7c: {  	_ =	shalt  }
0x7d: {  	_ =	shalt  }
0x7e: {  	_ =	shalt  }
0x7f: {  	_ =	shalt  }
0x80: {  	_ =	shalt  }
0x81: {  	_ =	shalt  }
0x82: {  	_ =	shalt  }
0x83: {  	_ =	shalt  }
0x84: {  	_ =	shalt  }
0x85: {  	_ =	shalt  }
0x86: {  	_ =	shalt  }
0x87: {  	_ =	shalt  }
.Lfunc_end0:
.L_simem_size_0:
called_computation_lowered:
.L_overlay_start_0:
0x88: {  	s2 =	sld [smem:$0x3FD9]  }
0x89: {  	s3 =	sld [smem:$0x3FFE];
	_ =	sdelay $0x1  }
0x8a: {  	s1 =	srdreg.scid  }
0x8b: {  	s0 =	sand.u32 $0x1, s1  }
0x8c: {  	s30 =	sshll.u32 s0, $0xA;
	s2 =	sadd.s32 s3, s2  }
0x8d: {  	s2 =	sadd.s32 s2, s30  }
0x8e: {  	[smem:$0x3FC1] =	sst s2  }
0x8f: {  	_ = 	snop  }
0x90: {  	s2 =	sld [smem:$0x3FC9]  }
0x91: {  	s31 =	sld [smem:$0x3FC8]  }
0x92: {  	s4 =	sld [smem:$0x3FC7]  }
0x93: {  	s5 =	sld [smem:$0x3FC6]  }
0x94: {  	s6 =	sld [smem:$0x3FD0]  }
0x95: {  	s7 =	sld [smem:$0x3FC5]  }
0x96: {  	s8 =	sld [smem:$0x3FC4]  }
0x97: {  	s10 =	simm.s32 $0xA;
	s11 =	simm.s32 $0x10;
	s9 =	sld [smem:$0x3FC3]  }
0x98: {  	[smem:s11], [sflag:s10] =	dma.local [hbm:s6], $0x1  }
0x99: {  	_ =	swait.eq [sflag:s10], $0x1  }
0x9a: {  	s17 =	sld [smem:$0x10];
	[sflag:s10] =	ssyncset.done $0x0  }
0x9b: {  	s18 =	sld [smem:$0x11];
	[sflag:s10] =	ssyncadd.s32 $0xFFFFFFFF  }
0x9c: {  	s19 =	sld [smem:$0x12];
	(tm) =	ssettm $0x1  }
0x9d: {  	s12 =	sld [smem:$0x3FFB];
	_ =	sdelay $0x3  }
0x9e: {  	_ =	strace s12  }
0x9f: {  	s12 =	sld [smem:$0x3FFC];
	_ =	sdelay $0x3  }
0xa0: {  	_ =	strace s12  }
0xa1: {  	s12 =	sld [smem:$0x3FFD];
	_ =	sdelay $0x3  }
0xa2: {  	_ =	strace s12  }
0xa3: {  	_ =	strace $0x8FFFFFFF  }
0xa4: {  	s20 =	sld [smem:$0x3FDB];
	_ =	sdelay $0x1  }
0xa5: {  	s13 =	simm.s32 $_scs_section_size  }
0xa6: {  	s14 =	simm.s32 $_size__tile_overlayer_lowered;
	s15 =	simm.s32 $_tile_overlayer_lowered  }
0xa7: {  	s23 =	simm.s32 $0x1BFF;
	s22 =	sshll.u32 s15, $0x1;
	s12 =	sadd.s32 s13, s20  }
0xa8: {  	s16 =	simm.s32 $0x0;
	s21 =	sshll.u32 s14, $0x1;
	s14 =	sadd.s32 s22, s12  }
0xa9: {  	[timem:s16], [sflag:s23] =	dma.local [hbm:s14], s21  }
0xaa: {  	_ =	swait.ge [sflag:s23], s21  }
0xab: {  	s13 =	ssub.s32 $0x0, s21;
	[sflag:s23] =	ssyncset.done $0x0  }
0xac: {  	[sflag:s23] =	ssyncadd.s32 s13;
	_ =	sdelay $0x1  }
0xad: {  	s24 =	simm.s32 $0x1B8B  }
0xae: {  	_ =	swait.ge [sflag:s24], $0x1  }
0xaf: {  	[sflag:s24] =	ssyncset.done $0x0  }
0xb0: {  	s25 =	simm.s32 $0x1B8E;
	[sflag:s24] =	ssyncadd.s32 $0xFFFFFFFF  }
0xb1: {  	s26 =	simm.s32 $execute0_lowered;
	[smem:$0x3FD2] =	sst s25  }
0xb2: {  	s13 =	sshll.u32 s26, $0x1;
	_ =	strace $0x80000046;
	[dreg:$0x1] =	wrdreg $0xFFFFFFFF  }
0xb3: {  	s28 =	simm.s32 $_size_execute0_lowered;
	s12 =	sadd.s32 s12, s13;
	[dreg:$0x0] =	wrdreg $0x0  }
0xb4: {  	s13 =	sshll.u32 s28, $0x1;
	[dreg:$0x2] =	wrdreg s12  }
0xb5: {  	[dreg:$0x3] =	wrdreg s13  }
0xb6: {  	[dreg:$0x4] =	wrdreg $0xC0  }
0xb7: {  	_ =	task [dreg:s16], $0x5FFFF  }
0xb8: {  	[dreg:$0x1] =	wrdreg $0xFFFFFFFF  }
0xb9: {  	[dreg:$0x0] =	wrdreg $0x60  }
0xba: {  	[dreg:$0x2] =	wrdreg s2  }
0xbb: {  	[dreg:$0x3] =	wrdreg s31  }
0xbc: {  	[dreg:$0x4] =	wrdreg s4  }
0xbd: {  	[dreg:$0x5] =	wrdreg s5  }
0xbe: {  	[dreg:$0x6] =	wrdreg s7  }
0xbf: {  	[dreg:$0x7] =	wrdreg s8  }
0xc0: {  	[dreg:$0x8] =	wrdreg s9  }
0xc1: {  	[dreg:$0x9] =	wrdreg s17  }
0xc2: {  	[dreg:$0xa] =	wrdreg s18  }
0xc3: {  	[dreg:$0xb] =	wrdreg s19  }
0xc4: {  	[dreg:$0xc] =	wrdreg $0xA3000  }
0xc5: {  	[dreg:$0xd] =	wrdreg $0x9  }
0xc6: {  	_ =	task.clear_ibuf [dreg:s16], $0xEFFFF;
	_ =	strace $0x90000046  }
0xc7: {  	s29 =	simm.s32 $0x9;
	_ =	strace $0x80000048  }
0xc8: {  	_ =	swait.ge [sflag:s29], $0x1  }
0xc9: {  	[sflag:s29] =	ssyncadd.s32 $0xFFFFFFFF  }
0xca: {  	_ =	strace $0x90000048  }
0xcb: {  	_ =	sfence  }
0xcc: {  	s30 =	sld [smem:$0x0];
	_ =	sdelay $0x2  }
0xcd: {  	s31 =	sshll.u32 s1, $0xD;
	s1 =	sshrl.u32 s1, $0x2  }
0xce: {  	s3 =	sand.u32 $0x4000, s31;
	s1 =	sadd.s32 s1, s30  }
0xcf: {  	s0 =	sor.u32 s3, s0;
	s1 =	sshll.u32 s1, $0x11  }
0xd0: {  	s0 =	sor.u32 s1, s0  }
0xd1: {  	s0 =	sadd.s32 $0x8F2B, s0  }
0xd2: {  	[sflag:s0] =	ssyncadd.remote.s32 $0x1  }
0xd3: {  	_ =	sfence.sel $0xFFFF  }
0xd4: {  	[dreg:$0x0] =	wrdreg $0xFFFFFFFF;
	(pc) =	sbr.abs _section_cstart, $3  }
0xd5: {  	[dreg:$0x1] =	wrdreg $0xFFFFFFFF  }
0xd6: {  	_ =	task.clear_ibuf [dreg:s16], $0x2FFFF;
	_ =	strace $0x9FFFFFFF  }
0xd7: {  	(tm) =	ssettm $0x7FFFFFFF  }
tec
execute0_lowered:
.L_overlay_start_1:
0x0: {  	(tag) =	ssettag $0x1  }
0x1: {  	s0 =	rddreg [dreg:$0x0]  }
0x2: {  	s1 =	rddreg [dreg:$0x1]  }
0x3: {  	s2 =	rddreg [dreg:$0x2]  }
0x4: {  	s3 =	rddreg [dreg:$0x3]  }
0x5: {  	s4 =	rddreg [dreg:$0x4]  }
0x6: {  	s5 =	rddreg [dreg:$0x5]  }
0x7: {  	s7 =	rddreg [dreg:$0x7]  }
0x8: {  	s6 =	rddreg [dreg:$0x8]  }
0x9: {  	s8 =	rddreg [dreg:$0x9];
	s9 =	srdreg.scid  }
0xa: {  	s17 =	stileid.u32;
	s10 =	rddreg [dreg:$0xa]  }
0xb: {  	s12 =	simm.s32 $0x0;
	s28 =	simm.s32 $0x80;
	s29 =	simm.s32 $0x5100  }
0xc: {  	s30 =	simm.s32 $0x5180;
	s9 =	sand.u32 $0x1, s9;
	s21 =	smul.u32 $0x13C00, s17  }
0xd: {  	s11 =	sshll.u32 s17, $0x1;
	[smem:$0x7FF] =	sst s12;
	s23 =	smul.u32 $0x4F000, s17  }
0xe: {  	s11 =	sor.u32 s9, s11;
	s13 =	ssub.s32 $0x2, s9;
	s9 =	smul.u32 $0x138800, s9  }
0xf: {  	p1 =	seq.s32 s17, $0xF;
	p0 =	sne.s32 s17, $0x0;
	s14 =	smul.u32 $0x28, s11  }
0x10: {  	s17 =	simm.s32 $0x8E00;
	_ =	strace $0x80000047;
	s16 =	smul.u32 $0x5, s11  }
0x11: {  	s15 =	sshrl.u32 s13, $0x1;
	s18 =	smul.u32 $0x280, s11;
	s22 =	sshll.u32 s11, $0x5  }
0x12: {  	s25 =	sshrl.u32 s23, $0x2;
	s23 =	simm.s32 $0x4;
	s13 =	ssub.s32 s13, s15  }
0x13: {  	s15 =	sadd.s32 s6, s22;
	s24 =	sadd.s32 s21, s9;
	s9 =	sshrl.u32 s9, $0x3  }
0x14: {  	s21 =	simm.s32 $0x3;
	s22 =	simm.s32 $0x7;
	s14 =	sshrl.u32 s14, $0x3  }
0x15: {  	s31 =	sadd.s32 s4, s16;
	s16 =	sadd.s32 s5, s16;
	[dreg:$0x11] =	wrdreg s15  }
0x16: {  	s20 =	sadd.s32 s0, s18;
	s18 =	sor.u32 $0x40, s11;
	[dreg:$0xc] =	wrdreg s31  }
0x17: {  	s6 =	sshrl.u32 s24, $0x3;
	s26 =	smax.u32 s13, $0x1;
	[dreg:$0xd] =	wrdreg s16  }
0x18: {  	s13 =	simm.s32 $0x2;
	s14 =	sadd.s32 $0xA0, s14;
	[dreg:$0x10] =	wrdreg s20  }
0x19: {  	s20 =	sor.u32 $0x60, s11;
	s6 =	sadd.s32 s8, s6;
	[dreg:$0x14] =	wrdreg s26  }
0x1a: {  	s8 =	sadd.s32 s8, s9;
	s31 =	sadd.s32 $0x10, s15;
	[dreg:$0x12] =	wrdreg s6  }
0x1b: {  	s9 =	simm.s32 $0x3D00;
	s19 =	sadd.s32 s4, s14;
	[dreg:$0x17] =	wrdreg s31  }
.Ltmp0:
0x1c: {  	s14 =	sadd.s32 s5, s14;
	[dreg:$0xe] =	wrdreg s19;
	(pc) =	sbr.rel .LBB2_1-.Ltmp0, $4  }
0x1d: {  	s6 =	sadd.s32 s25, s10;
	s8 =	sadd.s32 $0x25080, s8;
	[dreg:$0xf] =	wrdreg s14  }
0x1e: {  	[dreg:$0x13] =	wrdreg s8;
	s8 =	sadd.s32 $0x128400, s10;
	s6 =	sshrl.u32 @!p1 s6, $0x3  }
0x1f: {  	s16 =	simm.s32 $0x0;
	s8 =	sshrl.u32 @p1 s8, $0x3;
	[dreg:$0x16] =	wrdreg s6  }
0x20: {  	s14 =	simm.s32 $0x5200;
	s6 =	simm.s32 $0x28;
	[dreg:$0x15] =	wrdreg s8  }
.LBB2_8:
0x21: {  	s8 =	simm.s32 $0x5  }
0x22: {  	_ =	swait.ge [sflag:s8], $0x1400  }
0x23: {  	[sflag:s8] =	ssyncset.done $0x0  }
0x24: {  	s16 =	simm.s32 $0x6;
	[sflag:s8] =	ssyncadd.s32 $0xFFFFEC00  }
0x25: {  	_ =	swait.ge [sflag:s16], $0x1400  }
0x26: {  	[sflag:s16] =	ssyncset.done $0x0  }
0x27: {  	[sflag:s16] =	ssyncadd.s32 $0xFFFFEC00  }
0x28: {  	[tilespmem:$0xA200] =	vst v1  }
0x29: {  	[tilespmem:$0xA280] =	vst v6  }
0x2a: {  	[tilespmem:$0xA210] =	vst v2  }
0x2b: {  	[tilespmem:$0xA290] =	vst v7  }
0x2c: {  	[tilespmem:$0xA220] =	vst v3  }
0x2d: {  	[tilespmem:$0xA2A0] =	vst v10  }
0x2e: {  	[tilespmem:$0xA230] =	vst v4  }
0x2f: {  	[tilespmem:$0xA2B0] =	vst v9  }
0x30: {  	[tilespmem:$0xA240] =	vst v5  }
0x31: {  	[tilespmem:$0xA2C0] =	vst v11  }
0x32: {  	[tilespmem:$0xA250] =	vst v0  }
0x33: {  	[tilespmem:$0xA2D0] =	vst v8  }
0x34: {  	[tilespmem:$0xA260] =	vst v14  }
0x35: {  	[tilespmem:$0xA2E0] =	vst v12  }
0x36: {  	[tilespmem:$0xA270] =	vst v15  }
0x37: {  	s15 =	simm.s32 $0xA200;
	s19 =	rddreg [dreg:$0x11];
	[tilespmem:$0xA2F0] =	vst v13  }
0x38: {  	[hbm4b:s19+s12] =	stream.linear.scatter [tilespmem:s15], [sflag:$0x7], $0x80, $0x38;
	[tilespmem:$0x1DB80] =	vst v63  }
0x39: {  	_ =	swait.ge [sflag:s22], $0x80  }
0x3a: {  	[sflag:s22] =	ssyncset.done $0x0  }
0x3b: {  	s25 =	simm.s32 $0xA280;
	s24 =	rddreg [dreg:$0x17];
	[sflag:s22] =	ssyncadd.s32 $0xFFFFFF80  }
0x3c: {  	[hbm4b:s24+s12] =	stream.linear.scatter [tilespmem:s25], [sflag:$0x7], $0x80, $0x38;
	[tilespmem:$0x1DB80] =	vst v63  }
0x3d: {  	_ =	swait.ge [sflag:s22], $0x80  }
0x3e: {  	[sflag:s22] =	ssyncset.done $0x0  }
0x3f: {  	[sflag:s22] =	ssyncadd.s32 $0xFFFFFF80  }
0x40: {  	[bflag:$0x0] =	sbarrier.arrive $0xFFFF  }
0x41: {  	s15 =	rddreg [dreg:$0x13]  }
0x42: {  	s8 =	simm.s32 @p1 $0x1FC7;
	s16 =	rddreg [dreg:$0x15]  }
0x43: {  	[hbm:s15], [sflag:s8] =	dma.local @p1 [spmem:s16], $0x2080  }
0x44: {  	s8 =	simm.s32 @p1 $0x7  }
0x45: {  	s15 =	stileid.u32;
	_ =	swait.ge @p1 [sflag:s8], $0x2080  }
0x46: {  	s15 =	sshll.u32 @!p1 s15, $0x6;
	[sflag:s8] =	ssyncset.done @p1 $0x0;
	s16 =	rddreg [dreg:$0x16]  }
0x47: {  	[sflag:s8] =	ssyncadd.s32 @p1 $0xFFFFDF80;
	s8 =	sor.u32 @!p1 $0x1C07, s15;
	s15 =	rddreg [dreg:$0x12]  }
0x48: {  	[hbm:s15], [sflag:s8] =	dma.local @!p1 [spmem:s16], $0x2780  }
0x49: {  	s8 =	simm.s32 @!p1 $0x7  }
0x4a: {  	_ =	swait.ge @!p1 [sflag:s8], $0x2780  }
0x4b: {  	s26 =	rddreg [dreg:$0x18]  }
0x4c: {  	s31 =	rddreg [dreg:$0x14];
	s16 =	sadd.s32 $0x1, s26  }
0x4d: {  	p2 =	sne.s32 s16, s31  }
.Ltmp1:
0x4e: {  	_ = 	snop;
	(pc) =	sbr.rel @!p2 .LBB2_9-.Ltmp1, $3  }
0x4f: {  	_ =	sdelay $0x1  }
0x50: {  	[sflag:s8] =	ssyncset.done @!p1 $0x0  }
0x51: {  	[sflag:s8] =	ssyncadd.s32 @!p1 $0xFFFFD880  }
.LBB2_1:
0x52: {  	[dreg:$0x18] =	wrdreg s16  }
0x53: {  	s8 =	sshrl.u32 @!p0 s10, $0x3;
	s15 =	simm.s32 @!p0 $0x1C07;
	s16 =	rddreg [dreg:$0x6]  }
0x54: {  	[spmem:s8], [sflag:s15] =	dma.local @!p0 [hbm:s16], $0x27100  }
0x55: {  	s8 =	simm.s32 @!p0 $0x7  }
0x56: {  	_ =	swait.ge @!p0 [sflag:s8], $0x27100  }
0x57: {  	[sflag:s8] =	ssyncset.done @!p0 $0x0  }
0x58: {  	[sflag:s8] =	ssyncadd.s32 @!p0 $0xFFFD8F00  }
0x59: {  	[bflag:$0x0] =	sbarrier.arrive $0xFFFF  }
0x5a: {  	s26 =	rddreg [dreg:$0xc]  }
0x5b: {  	[tilespmem:s12], [sflag:$0x1] =	stream.linear.gather [hbm4b:s26+s12], $0x28, $0x38;
	[tilespmem:$0x1DB80] =	vst v63  }
0x5c: {  	s31 =	rddreg [dreg:$0xd]  }
0x5d: {  	[tilespmem:s28], [sflag:$0x1] =	stream.linear.gather [hbm4b:s31+s12], $0x28, $0x38;
	[tilespmem:$0x1DB80] =	vst v63  }
0x5e: {  	s15 =	rddreg [dreg:$0xe]  }
0x5f: {  	[tilespmem:s29], [sflag:$0x2] =	stream.linear.gather [hbm4b:s15+s12], $0x28, $0x38;
	[tilespmem:$0x1DB80] =	vst v63  }
0x60: {  	s19 =	simm.s32 $0x1;
	s16 =	rddreg [dreg:$0xf]  }
0x61: {  	[tilespmem:s30], [sflag:$0x2] =	stream.linear.gather [hbm4b:s16+s12], $0x28, $0x38;
	[tilespmem:$0x1DB80] =	vst v63  }
0x62: {  	_ =	swait.ge [sflag:s19], $0x28  }
0x63: {  	[sflag:s19] =	ssyncset.done $0x0  }
0x64: {  	[sflag:s19] =	ssyncadd.s32 $0xFFFFFFD8  }
0x65: {  	_ =	swait.ge [sflag:s19], $0x28  }
0x66: {  	[sflag:s19] =	ssyncset.done $0x0  }
0x67: {  	s25 =	simm.s32 $0x100;
	s24 =	rddreg [dreg:$0x10];
	[sflag:s19] =	ssyncadd.s32 $0xFFFFFFD8  }
0x68: {  	[tilespmem:s25], [sflag:$0x3] =	stream.linear.gather [hbm4b:s24+s12], $0x1400, $0x38;
	[tilespmem:$0x1DB80] =	vst v63  }
0x69: {  	v13 =	vimm.f32 $0.0e+00;
	s26 =	simm.s32 $0x1500  }
0x6a: {  	v12 =	vimm.f32 $0.0e+00;
	v8 =	vimm.f32 $0.0e+00;
	v11 =	vimm.f32 $0.0e+00;
	[tilespmem:s26], [sflag:$0x3] =	stream.indirect.gather [hbm4b:s1+s6], $0x80, s28, s6, $0xb8;
	[tilespmem:$0x1DB80] =	vst v63  }
0x6b: {  	v9 =	vimm.f32 $0.0e+00;
	v10 =	vimm.f32 $0.0e+00;
	v7 =	vimm.f32 $0.0e+00;
	s31 =	simm.s32 $0x2900  }
0x6c: {  	v6 =	vimm.f32 $0.0e+00;
	v15 =	vimm.f32 $0.0e+00;
	v14 =	vimm.f32 $0.0e+00;
	[tilespmem:s31], [sflag:$0x3] =	stream.indirect.gather [hbm4b:s2+s6], $0x80, s12, s6, $0xb8;
	[tilespmem:$0x1DB80] =	vst v63  }
0x6d: {  	v0 =	vimm.f32 $0.0e+00;
	v5 =	vimm.f32 $0.0e+00;
	v4 =	vimm.f32 $0.0e+00;
	s19 =	simm.s32 $0x0  }
0x6e: {  	v3 =	vimm.f32 $0.0e+00;
	v2 =	vimm.f32 $0.0e+00;
	v1 =	vimm.f32 $0.0e+00;
	[tilespmem:s9], [sflag:$0x3] =	stream.indirect.gather [hbm4b:s3+s6], $0x80, s12, s6, $0xb8;
	[tilespmem:$0x1DB80] =	vst v63  }
.LBB2_2:
0x6f: {  	p2 =	seq.s32 s19, $0x0  }
0x70: {  	s8 =	simm.s32 @!p2 $0x6  }
0x71: {  	_ =	swait.ge @!p2 [sflag:s8], $0x1400  }
0x72: {  	[sflag:s8] =	ssyncset.done @!p2 $0x0  }
0x73: {  	[sflag:s8] =	ssyncadd.s32 @!p2 $0xFFFFEC00  }
0x74: {  	s24 =	sshll.u32 s19, $0x6;
	_ =	swait.ge [sflag:s13], $0x28  }
0x75: {  	s25 =	sor.u32 s24, s11;
	[sflag:s13] =	ssyncset.done $0x0  }
0x76: {  	s31 =	smul.u32 $0x280, s25;
	[sflag:s13] =	ssyncadd.s32 $0xFFFFFFD8  }
0x77: {  	_ =	swait.ge [sflag:s13], $0x28  }
0x78: {  	s25 =	sadd.s32 $0x5000, s31;
	[sflag:s13] =	ssyncset.done $0x0  }
0x79: {  	s15 =	simm.s32 $0x0;
	s26 =	sadd.s32 s0, s25;
	[sflag:s13] =	ssyncadd.s32 $0xFFFFFFD8  }
0x7a: {  	[tilespmem:s14], [sflag:$0x4] =	stream.linear.gather [hbm4b:s26+s15], $0x1400, $0x38;
	[tilespmem:$0x1DB80] =	vst v63  }
0x7b: {  	s16 =	simm.s32 $0x6600  }
0x7c: {  	[tilespmem:s16], [sflag:$0x4] =	stream.indirect.gather [hbm4b:s1+s6], $0x80, s30, s6, $0xb8;
	[tilespmem:$0x1DB80] =	vst v63  }
0x7d: {  	s26 =	simm.s32 $0x7A00  }
0x7e: {  	[tilespmem:s26], [sflag:$0x4] =	stream.indirect.gather [hbm4b:s2+s6], $0x80, s29, s6, $0xb8;
	[tilespmem:$0x1DB80] =	vst v63  }
0x7f: {  	_ = 	snop  }
0x80: {  	[tilespmem:s17], [sflag:$0x4] =	stream.indirect.gather [hbm4b:s3+s6], $0x80, s29, s6, $0xb8;
	[tilespmem:$0x1DB80] =	vst v63  }
0x81: {  	_ =	swait.ge [sflag:s21], $0x1400  }
0x82: {  	[sflag:s21] =	ssyncset.done $0x0  }
0x83: {  	[sflag:s21] =	ssyncadd.s32 $0xFFFFEC00  }
0x84: {  	_ =	swait.ge [sflag:s21], $0x1400  }
0x85: {  	[sflag:s21] =	ssyncset.done $0x0  }
0x86: {  	[sflag:s21] =	ssyncadd.s32 $0xFFFFEC00  }
0x87: {  	_ =	swait.ge [sflag:s21], $0x1400  }
0x88: {  	[sflag:s21] =	ssyncset.done $0x0  }
0x89: {  	[sflag:s21] =	ssyncadd.s32 $0xFFFFEC00  }
0x8a: {  	_ =	swait.ge [sflag:s21], $0x1400  }
0x8b: {  	[sflag:s21] =	ssyncset.done $0x0  }
0x8c: {  	s15 =	simm.s32 $0x0;
	[sflag:s21] =	ssyncadd.s32 $0xFFFFEC00  }
0x8d: {  	v16 =	vld [tilespmem:s15+$0x2900]  }
0x8e: {  	v17 =	vld [tilespmem:s15+$0x2910]  }
0x8f: {  	v18 =	vld [tilespmem:s15+$0x2920]  }
0x90: {  	v19 =	vld [tilespmem:s15+$0x2930]  }
0x91: {  	v20 =	vld [tilespmem:s15+$0x2940]  }
0x92: {  	v21 =	vld [tilespmem:s15+$0x2950]  }
0x93: {  	v22 =	vld [tilespmem:s15+$0x1500]  }
0x94: {  	v25 =	vld [tilespmem:s15+$0x1510]  }
0x95: {  	v26 =	vld [tilespmem:s15+$0x1520]  }
0x96: {  	v27 =	vld [tilespmem:s15+$0x1530]  }
0x97: {  	v28 =	vld [tilespmem:s15+$0x1540]  }
0x98: {  	v29 =	vld [tilespmem:s15+$0x1550]  }
0x99: {  	v30 =	vld [tilespmem:s15+$0x1560]  }
0x9a: {  	v31 =	vld [tilespmem:s15+$0x100]  }
0x9b: {  	v33 =	vld [tilespmem:s15+$0x110]  }
0x9c: {  	v34 =	vld [tilespmem:s15+$0x120]  }
0x9d: {  	v35 =	vld [tilespmem:s15+$0x130]  }
0x9e: {  	v36 =	vld [tilespmem:s15+$0x140]  }
0x9f: {  	v22 =	vadd.f32 v22, v31;
	v31 =	vld [tilespmem:s15+$0x150]  }
0xa0: {  	v51 =	vld [tilespmem:s15+$0x160];
	v25 =	vadd.f32 v25, v33  }
0xa1: {  	v23 =	vld [tilespmem:s15+$0x2960];
	v16 =	vadd.f32 v16, v22;
	v22 =	vadd.f32 v26, v34  }
0xa2: {  	v32 =	vld [tilespmem:s15+$0x1570];
	v17 =	vadd.f32 v17, v25;
	v25 =	vadd.f32 v27, v35  }
0xa3: {  	v37 =	vld [tilespmem:s15+$0x170];
	v18 =	vadd.f32 v18, v22;
	v22 =	vadd.f32 v28, v36  }
0xa4: {  	v35 =	vadd.f32 v19, v25;
	v25 =	vadd.f32 v29, v31  }
0xa5: {  	v24 =	vld [tilespmem:s15+$0x2970];
	v29 =	vadd.f32 v20, v22;
	v20 =	vadd.f32 v30, v51;
	_ =	sdelay $0x1  }
0xa6: {  	v31 =	vadd.f32 v23, v20;
	v23 =	vsub.f32 $0.0e+00, v29  }
0xa7: {  	v30 =	vadd.f32 v21, v25;
	v25 =	vadd.f32 v32, v37  }
0xa8: {  	v23 =	vmul.f32 $1.442695020e+00, v23  }
0xa9: {  	v45 =	vld [tilespmem:s15+$0x3D40];
	v32 =	vadd.f32 v24, v25;
	v25 =	vsub.f32 $0.0e+00, v30  }
0xaa: {  	v46 =	vld [tilespmem:s15+$0x3D50];
	v27 =	vsub.f32 $0.0e+00, v31;
	(erf) = vpow2.f32 v23  }
0xab: {  	v47 =	vld [tilespmem:s15+$0x3D60];
	v25 =	vmul.f32 $1.442695020e+00, v25;
	v28 =	vsub.f32 $0.0e+00, v32  }
0xac: {  	s26 =	simm.s32 $0x80;
	v48 =	vld [tilespmem:s15+$0x3D70];
	[tilespmem:s15+$0x100] =	vst v16;
	v53 =	vsub.f32 $0.0e+00, v35;
	v27 =	vmul.f32 $1.442695020e+00, v27  }
0xad: {  	v26 =	vld [tilespmem:s26+$0x2900];
	[tilespmem:s15+$0x110] =	vst v17;
	v23 =	vmul.f32 $1.442695020e+00, v28;
	(erf) = vpow2.f32 v25  }
0xae: {  	v34 =	vld [tilespmem:s26+$0x2910];
	[tilespmem:s15+$0x120] =	vst v18;
	v25 =	vmul.f32 $1.442695020e+00, v53;
	(erf) = vpow2.f32 v27  }
0xaf: {  	v40 =	vld [tilespmem:s26+$0x2920];
	[tilespmem:s15+$0x130] =	vst v35;
	v27 =	vsub.f32 $0.0e+00, v18;
	(erf) = vpow2.f32 v23  }
0xb0: {  	v19 =	vld [tilespmem:s26+$0x2930];
	[tilespmem:s15+$0x140] =	vst v29;
	(erf) = vpow2.f32 v25  }
0xb1: {  	v22 =	vld [tilespmem:s26+$0x2940];
	[tilespmem:s15+$0x150] =	vst v30;
	v28 =	vsub.f32 $0.0e+00, v17;
	v55 =	vmul.f32 $1.442695020e+00, v27  }
0xb2: {  	v1 =	vadd.f32 v16, v1;
	v21 =	vld [tilespmem:s26+$0x2950];
	[tilespmem:s15+$0x160] =	vst v31;
	v25 =	vsub.f32 $0.0e+00, v16;
	v16 =	vmul.f32 v16, v16  }
0xb3: {  	v3 =	vadd.f32 v18, v3;
	v20 =	vld [tilespmem:s26+$0x2960];
	[tilespmem:s15+$0x170] =	vst v32;
	v28 =	vmul.f32 $1.442695020e+00, v28;
	(erf) = vpow2.f32 v55;
	v56 =	vpop (erf)  }
0xb4: {  	v24 =	vld [tilespmem:s26+$0x2970];
	v6 =	vadd.f32 v16, v6;
	v16 =	vmul.f32 v18, v18;
	v18 =	vadd.f32 $1.000000000e+00, v56  }
0xb5: {  	v2 =	vadd.f32 v17, v2;
	v52 =	vld [tilespmem:s26+$0x1500];
	v17 =	vmul.f32 v17, v17;
	v38 =	vmul.f32 $1.442695020e+00, v25  }
0xb6: {  	v5 =	vadd.f32 v29, v5;
	v54 =	vld [tilespmem:s26+$0x1510];
	(erf) = vpow2.f32 v28;
	v57 =	vpop (erf)  }
0xb7: {  	v41 =	vld [tilespmem:s26+$0x1520];
	v7 =	vadd.f32 v17, v7;
	(erf) = vpow2.f32 v38;
	v17 =	vadd.f32 $1.000000000e+00, v57;
	v58 =	vpop (erf)  }
0xb8: {  	v29 =	vmul.f32 v29, v29;
	v42 =	vld [tilespmem:s26+$0x1530];
	v36 =	vadd.f32 $1.000000000e+00, v58;
	(erf) = vrcp.f32 v18;
	v18 =	vpop (erf)  }
0xb9: {  	v43 =	vld [tilespmem:s26+$0x1540];
	(erf) = vrcp.f32 v17;
	v18 =	vadd.f32 $1.000000000e+00, v18;
	v59 =	vpop (erf)  }
0xba: {  	v44 =	vld [tilespmem:s26+$0x1550];
	v10 =	vadd.f32 v16, v10;
	(erf) = vrcp.f32 v36;
	v16 =	vadd.f32 $1.000000000e+00, v59  }
0xbb: {  	v0 =	vadd.f32 v30, v0;
	v30 =	vmul.f32 v30, v30;
	v60 =	vld [tilespmem:s26+$0x110];
	(erf) = vrcp.f32 v18  }
0xbc: {  	v11 =	vadd.f32 v29, v11;
	v17 =	vld [tilespmem:s26+$0x100];
	v29 =	vpop (erf);
	(erf) = vrcp.f32 v16;
	v16 =	vmul.f32 v32, v32  }
0xbd: {  	v4 =	vadd.f32 v35, v4;
	v35 =	vmul.f32 v35, v35;
	v8 =	vadd.f32 v30, v8;
	v30 =	vld [tilespmem:s26+$0x130]  }
0xbe: {  	v49 =	vld [tilespmem:s26+$0x140]  }
0xbf: {  	v9 =	vadd.f32 v35, v9;
	v63 =	vld [tilespmem:s26+$0x150];
	v29 =	vadd.f32 $1.000000000e+00, v29;
	v62 =	vpop (erf)  }
0xc0: {  	v39 =	vld [tilespmem:s26+$0x160];
	v35 =	vadd.f32 $1.000000000e+00, v62;
	v13 =	vadd.f32 v16, v13;
	v16 =	vpop (erf)  }
0xc1: {  	v18 =	vld [tilespmem:s26+$0x120];
	v17 =	vadd.f32 v52, v17;
	(erf) = vrcp.f32 v29;
	v29 =	vadd.f32 $1.000000000e+00, v16  }
0xc2: {  	v23 =	vld [tilespmem:s26+$0x1560];
	(erf) = vrcp.f32 v35  }
0xc3: {  	v27 =	vld [tilespmem:s26+$0x1570];
	v16 =	vadd.f32 v26, v17;
	v26 =	vpop (erf);
	(erf) = vrcp.f32 v29  }
0xc4: {  	v61 =	vmul.f32 v31, v31;
	v14 =	vadd.f32 v31, v14;
	v15 =	vadd.f32 v32, v15;
	v25 =	vld [tilespmem:s15+$0x3D20]  }
0xc5: {  	v28 =	vld [tilespmem:s15+$0x3D30];
	v17 =	vadd.f32 v54, v60;
	v29 =	vadd.f32 v42, v30  }
0xc6: {  	v12 =	vadd.f32 v61, v12;
	v38 =	vld [tilespmem:s26+$0x170];
	v18 =	vadd.f32 v41, v18;
	v32 =	vmul.f32 v26, v45;
	v26 =	vpop (erf)  }
0xc7: {  	v36 =	vld [tilespmem:s15+$0x3D10];
	v41 =	vadd.f32 v43, v49;
	[tilespmem:s26+$0x100] =	vst v16;
	v17 =	vadd.f32 v34, v17;
	v34 =	vmul.f32 v26, v46;
	v26 =	vpop (erf)  }
0xc8: {  	s16 =	simm.s32 $0x100;
	v18 =	vadd.f32 v40, v18;
	v42 =	vadd.f32 v44, v63;
	v35 =	vld [tilespmem:s15+$0x3D00];
	v30 =	vpop (erf)  }
0xc9: {  	s8 =	simm.s32 $0x600;
	v37 =	vmul.f32 v26, v47;
	v26 =	vld [tilespmem:s16+$0x2900];
	[tilespmem:s26+$0x110] =	vst v17;
	v19 =	vadd.f32 v19, v29;
	v40 =	vmul.f32 v30, v48;
	v29 =	vpop (erf)  }
.LBB2_3:
0xca: {  	p2 =	sne.s32 s8, $0x4E00;
	v31 =	vld [tilespmem:s16+$0x2910];
	[tilespmem:s26+$0x120] =	vst v18;
	v33 =	vadd.f32 v22, v41;
	v22 =	vadd.f32 v23, v39;
	v23 =	vmul.f32 v29, v28;
	v28 =	vpop (erf)  }
0xcb: {  	v30 =	vld [tilespmem:s16+$0x2920];
	[tilespmem:s26+$0x130] =	vst v19;
	v39 =	vadd.f32 v21, v42;
	v21 =	vadd.f32 v27, v38;
	v25 =	vmul.f32 v28, v25;
	v27 =	vpop (erf)  }
0xcc: {  	v29 =	vld [tilespmem:s16+$0x2930];
	v28 =	vsub.f32 $0.0e+00, v33;
	[tilespmem:s26+$0x140] =	vst v33;
	v38 =	vadd.f32 v20, v22;
	v27 =	vmul.f32 v27, v36;
	v20 =	vpop (erf)  }
0xcd: {  	v22 =	vld [tilespmem:s16+$0x2940];
	v36 =	vsub.f32 $0.0e+00, v39;
	[tilespmem:s26+$0x150] =	vst v39;
	v41 =	vadd.f32 v24, v21;
	v35 =	vmul.f32 v20, v35  }
0xce: {  	v42 =	vsub.f32 $0.0e+00, v19;
	v21 =	vld [tilespmem:s16+$0x2950];
	v28 =	vmul.f32 $1.442695020e+00, v28;
	v43 =	vsub.f32 $0.0e+00, v38;
	[tilespmem:s26+$0x160] =	vst v38  }
0xcf: {  	v44 =	vsub.f32 $0.0e+00, v18;
	v20 =	vld [tilespmem:s16+$0x2960];
	v36 =	vmul.f32 $1.442695020e+00, v36;
	v45 =	vsub.f32 $0.0e+00, v41;
	[tilespmem:s26+$0x170] =	vst v41  }
0xd0: {  	v46 =	vsub.f32 $0.0e+00, v17;
	v24 =	vld [tilespmem:s16+$0x2970];
	v43 =	vmul.f32 $1.442695020e+00, v43;
	(erf) = vpow2.f32 v28;
	[tilespmem:s15+$0x3D70] =	vst v40  }
0xd1: {  	v28 =	vsub.f32 $0.0e+00, v16;
	v40 =	vld [tilespmem:s16+$0x1500];
	v45 =	vmul.f32 $1.442695020e+00, v45;
	(erf) = vpow2.f32 v36;
	[tilespmem:s15+$0x3D60] =	vst v37  }
0xd2: {  	v1 =	vadd.f32 v16, v1;
	v37 =	vmul.f32 $1.442695020e+00, v42;
	v36 =	vld [tilespmem:s16+$0x1510];
	(erf) = vpow2.f32 v43;
	[tilespmem:s15+$0x3D50] =	vst v34  }
0xd3: {  	v2 =	vadd.f32 v17, v2;
	v42 =	vmul.f32 $1.442695020e+00, v44;
	v34 =	vld [tilespmem:s16+$0x1520];
	(erf) = vpow2.f32 v45;
	[tilespmem:s15+$0x3D40] =	vst v32  }
0xd4: {  	v3 =	vadd.f32 v18, v3;
	v32 =	vmul.f32 $1.442695020e+00, v46;
	v43 =	vld [tilespmem:s16+$0x1530];
	(erf) = vpow2.f32 v37;
	[tilespmem:s15+$0x3D30] =	vst v23  }
0xd5: {  	v4 =	vadd.f32 v19, v4;
	v28 =	vmul.f32 $1.442695020e+00, v28;
	v37 =	vld [tilespmem:s16+$0x1540];
	(erf) = vpow2.f32 v42;
	[tilespmem:s15+$0x3D20] =	vst v25  }
0xd6: {  	v5 =	vadd.f32 v33, v5;
	v16 =	vmul.f32 v16, v16;
	v42 =	vld [tilespmem:s16+$0x1550];
	(erf) = vpow2.f32 v32;
	[tilespmem:s15+$0x3D10] =	vst v27  }
0xd7: {  	v17 =	vmul.f32 v17, v17;
	v0 =	vadd.f32 v39, v0;
	v23 =	vld [tilespmem:s16+$0x1560];
	(erf) = vpow2.f32 v28;
	[tilespmem:s15+$0x3D00] =	vst v35;
	s15 =	smov.u32 s26;
	s26 =	smov.u32 s16  }
0xd8: {  	v6 =	vadd.f32 v16, v6;
	v16 =	vmul.f32 v18, v18;
	v18 =	vmul.f32 v19, v19;
	v27 =	vld [tilespmem:s26+$0x1570]  }
0xd9: {  	v7 =	vadd.f32 v17, v7;
	v17 =	vmul.f32 v33, v33;
	v19 =	vmul.f32 v39, v39;
	v25 =	vld [tilespmem:s15+$0x3D20];
	v32 =	vpop (erf)  }
0xda: {  	v33 =	vmul.f32 v38, v38;
	v35 =	vmul.f32 v41, v41;
	v28 =	vld [tilespmem:s15+$0x3D30];
	v45 =	vadd.f32 $1.000000000e+00, v32;
	v39 =	vpop (erf)  }
0xdb: {  	v10 =	vadd.f32 v16, v10;
	v44 =	vld [tilespmem:s15+$0x3D40];
	v16 =	vadd.f32 $1.000000000e+00, v39;
	v39 =	vpop (erf)  }
0xdc: {  	v9 =	vadd.f32 v18, v9;
	v18 =	vld [tilespmem:s15+$0x3D50];
	v39 =	vadd.f32 $1.000000000e+00, v39;
	(erf) = vrcp.f32 v45;
	v32 =	vpop (erf)  }
0xdd: {  	v11 =	vadd.f32 v17, v11;
	v45 =	vld [tilespmem:s15+$0x3D60];
	v17 =	vadd.f32 $1.000000000e+00, v32;
	v32 =	vpop (erf);
	(erf) = vrcp.f32 v16  }
0xde: {  	v8 =	vadd.f32 v19, v8;
	v16 =	vadd.f32 $1.000000000e+00, v32;
	v46 =	vld [tilespmem:s15+$0x3D70];
	v19 =	vpop (erf);
	(erf) = vrcp.f32 v39  }
0xdf: {  	v12 =	vadd.f32 v33, v12;
	v32 =	vld [tilespmem:s26+$0x100];
	v19 =	vadd.f32 $1.000000000e+00, v19;
	v33 =	vpop (erf);
	(erf) = vrcp.f32 v17  }
0xe0: {  	v13 =	vadd.f32 v35, v13;
	v17 =	vld [tilespmem:s26+$0x110];
	v33 =	vadd.f32 $1.000000000e+00, v33;
	v35 =	vpop (erf);
	(erf) = vrcp.f32 v16  }
0xe1: {  	v14 =	vadd.f32 v38, v14;
	v47 =	vld [tilespmem:s26+$0x120];
	v16 =	vadd.f32 $1.000000000e+00, v35;
	(erf) = vrcp.f32 v19  }
0xe2: {  	v15 =	vadd.f32 v41, v15;
	v19 =	vld [tilespmem:s26+$0x130];
	(erf) = vrcp.f32 v33  }
0xe3: {  	v33 =	vld [tilespmem:s26+$0x140];
	(erf) = vrcp.f32 v16  }
0xe4: {  	v16 =	vadd.f32 v40, v32;
	v40 =	vld [tilespmem:s26+$0x150]  }
.Ltmp2:
0xe5: {  	v17 =	vadd.f32 v36, v17;
	v39 =	vld [tilespmem:s26+$0x160];
	v32 =	vpop (erf);
	(pc) =	sbr.rel @p2 .LBB2_3-.Ltmp2, $4  }
0xe6: {  	v16 =	vadd.f32 v26, v16;
	v26 =	vadd.f32 v34, v47;
	v38 =	vld [tilespmem:s26+$0x170];
	v32 =	vmul.f32 v32, v44;
	v34 =	vpop (erf)  }
0xe7: {  	v17 =	vadd.f32 v31, v17;
	v19 =	vadd.f32 v43, v19;
	v36 =	vld [tilespmem:s15+$0x3D10];
	v34 =	vmul.f32 v34, v18;
	v31 =	vpop (erf)  }
0xe8: {  	s16 =	sshra.s32 s8, $0x2;
	[tilespmem:s26+$0x100] =	vst v16;
	v18 =	vadd.f32 v30, v26;
	v41 =	vadd.f32 v37, v33;
	v35 =	vld [tilespmem:s15+$0x3D00];
	v37 =	vmul.f32 v31, v45;
	v30 =	vpop (erf)  }
0xe9: {  	s8 =	sadd.s32 $0x200, s8;
	v26 =	vld [tilespmem:s16+$0x2900];
	[tilespmem:s26+$0x110] =	vst v17;
	v19 =	vadd.f32 v29, v19;
	v42 =	vadd.f32 v42, v40;
	v40 =	vmul.f32 v30, v46;
	v29 =	vpop (erf)  }
0xea: {  	v30 =	vld [tilespmem:s16+$0x2910];
	[tilespmem:s26+$0x120] =	vst v18;
	v22 =	vadd.f32 v22, v41;
	v39 =	vadd.f32 v23, v39  }
0xeb: {  	v33 =	vld [tilespmem:s16+$0x2920];
	[tilespmem:s26+$0x130] =	vst v19;
	v23 =	vadd.f32 v21, v42;
	v27 =	vadd.f32 v27, v38  }
0xec: {  	v31 =	vld [tilespmem:s16+$0x2930];
	[tilespmem:s26+$0x140] =	vst v22;
	v21 =	vadd.f32 v20, v39  }
0xed: {  	v41 =	vld [tilespmem:s16+$0x2940];
	[tilespmem:s26+$0x150] =	vst v23;
	v20 =	vadd.f32 v24, v27  }
0xee: {  	v28 =	vmul.f32 v29, v28;
	v29 =	vpop (erf);
	v50 =	vsub.f32 $0.0e+00, v22;
	v38 =	vld [tilespmem:s16+$0x2950];
	[tilespmem:s26+$0x160] =	vst v21  }
0xef: {  	v25 =	vmul.f32 v29, v25;
	v29 =	vpop (erf);
	v44 =	vsub.f32 $0.0e+00, v19;
	v51 =	vsub.f32 $0.0e+00, v23;
	v24 =	vld [tilespmem:s16+$0x2960];
	[tilespmem:s26+$0x170] =	vst v20  }
0xf0: {  	v29 =	vmul.f32 v29, v36;
	v43 =	vsub.f32 $0.0e+00, v21;
	v39 =	vld [tilespmem:s16+$0x2970];
	[tilespmem:s15+$0x3D70] =	vst v40;
	v40 =	vmul.f32 $1.442695020e+00, v50  }
0xf1: {  	v44 =	vmul.f32 $1.442695020e+00, v44;
	v52 =	vmul.f32 $1.442695020e+00, v51;
	v53 =	vsub.f32 $0.0e+00, v20;
	v27 =	vld [tilespmem:s16+$0x1500];
	[tilespmem:s15+$0x3D60] =	vst v37  }
0xf2: {  	v55 =	vsub.f32 $0.0e+00, v17;
	v43 =	vmul.f32 $1.442695020e+00, v43;
	v42 =	vld [tilespmem:s16+$0x1510];
	[tilespmem:s15+$0x3D50] =	vst v34;
	(erf) = vpow2.f32 v40  }
0xf3: {  	v54 =	vsub.f32 $0.0e+00, v18;
	v36 =	vmul.f32 $1.442695020e+00, v53;
	v37 =	vld [tilespmem:s16+$0x1520];
	[tilespmem:s15+$0x3D40] =	vst v32;
	(erf) = vpow2.f32 v52  }
0xf4: {  	v40 =	vmul.f32 $1.442695020e+00, v55;
	v34 =	vld [tilespmem:s16+$0x1530];
	(erf) = vpow2.f32 v43;
	[tilespmem:s15+$0x3D30] =	vst v28  }
0xf5: {  	v32 =	vmul.f32 $1.442695020e+00, v54;
	v28 =	vsub.f32 $0.0e+00, v16;
	(erf) = vpow2.f32 v36;
	v56 =	vld [tilespmem:s16+$0x1540];
	[tilespmem:s15+$0x3D20] =	vst v25;
	v25 =	vpop (erf)  }
0xf6: {  	(erf) = vpow2.f32 v44;
	v25 =	vmul.f32 v25, v35  }
0xf7: {  	v28 =	vmul.f32 $1.442695020e+00, v28;
	v57 =	vld [tilespmem:s16+$0x1550];
	[tilespmem:s15+$0x3D10] =	vst v29;
	(erf) = vpow2.f32 v32  }
0xf8: {  	v29 =	vld [tilespmem:s16+$0x1560];
	(erf) = vpow2.f32 v40;
	[tilespmem:s15+$0x3D00] =	vst v25  }
0xf9: {  	(erf) = vpow2.f32 v28;
	v25 =	vld [tilespmem:s16+$0x1570]  }
0xfa: {  	v59 =	vld [tilespmem:s16+$0x100]  }
0xfb: {  	v60 =	vld [tilespmem:s16+$0x110];
	v28 =	vpop (erf)  }
0xfc: {  	v48 =	vld [tilespmem:s16+$0x150];
	v58 =	vpop (erf)  }
0xfd: {  	v46 =	vld [tilespmem:s16+$0x140];
	v43 =	vpop (erf)  }
0xfe: {  	v50 =	vld [tilespmem:s16+$0x160];
	v28 =	vadd.f32 $1.000000000e+00, v28;
	v45 =	vpop (erf)  }
0xff: {  	v51 =	vld [tilespmem:s16+$0x170];
	v35 =	vadd.f32 $1.000000000e+00, v58;
	v43 =	vadd.f32 $1.000000000e+00, v43;
	v47 =	vpop (erf)  }
0x100: {  	v40 =	vadd.f32 v27, v59;
	v42 =	vadd.f32 v42, v60;
	v49 =	vpop (erf)  }
0x101: {  	v52 =	vld [tilespmem:s16+$0x130];
	(erf) = vrcp.f32 v28;
	v32 =	vadd.f32 v57, v48;
	v45 =	vadd.f32 $1.000000000e+00, v45;
	v62 =	vpop (erf)  }
0x102: {  	(erf) = vrcp.f32 v35;
	v28 =	vadd.f32 $1.000000000e+00, v47;
	v61 =	vadd.f32 $1.000000000e+00, v49;
	v27 =	vpop (erf)  }
0x103: {  	(erf) = vrcp.f32 v43;
	v49 =	vadd.f32 $1.000000000e+00, v27;
	v27 =	vadd.f32 v56, v46  }
0x104: {  	v29 =	vadd.f32 v29, v50;
	v25 =	vadd.f32 v25, v51;
	(erf) = vrcp.f32 v45  }
0x105: {  	v53 =	vld [tilespmem:s16+$0x120];
	(erf) = vrcp.f32 v28;
	v28 =	vadd.f32 v38, v32;
	v27 =	vadd.f32 v41, v27  }
0x106: {  	v34 =	vadd.f32 v34, v52;
	v63 =	vadd.f32 $1.000000000e+00, v62  }
0x107: {  	(erf) = vrcp.f32 v61;
	v55 =	vsub.f32 $0.0e+00, v28;
	v54 =	vsub.f32 $0.0e+00, v27  }
0x108: {  	v36 =	vld [tilespmem:s26+$0x3D20];
	v24 =	vadd.f32 v24, v29;
	v25 =	vadd.f32 v39, v25;
	(erf) = vrcp.f32 v63  }
0x109: {  	v58 =	vld [tilespmem:s26+$0x3D70];
	v29 =	vadd.f32 v26, v40;
	v43 =	vmul.f32 $1.442695020e+00, v55;
	v26 =	vmul.f32 $1.442695020e+00, v54  }
0x10a: {  	v37 =	vadd.f32 v37, v53;
	v39 =	vld [tilespmem:s26+$0x3D50];
	v57 =	vsub.f32 $0.0e+00, v25;
	(erf) = vrcp.f32 v49  }
0x10b: {  	v40 =	vld [tilespmem:s26+$0x3D60];
	v56 =	vsub.f32 $0.0e+00, v24;
	(erf) = vpow2.f32 v26;
	v26 =	vadd.f32 v31, v34  }
0x10c: {  	v32 =	vld [tilespmem:s26+$0x3D30];
	v41 =	vpop (erf);
	v31 =	vadd.f32 v30, v42;
	v30 =	vadd.f32 v33, v37  }
0x10d: {  	v38 =	vld [tilespmem:s26+$0x3D40];
	v35 =	vmul.f32 $1.442695020e+00, v56;
	(erf) = vpow2.f32 v43;
	v43 =	vpop (erf);
	v61 =	vsub.f32 $0.0e+00, v26  }
0x10e: {  	v46 =	vld [tilespmem:s26+$0x3D10];
	[tilespmem:s16+$0x100] =	vst v29;
	v59 =	vmul.f32 $1.442695020e+00, v57;
	v60 =	vpop (erf);
	v63 =	vsub.f32 $0.0e+00, v30  }
0x10f: {  	(erf) = vpow2.f32 v35;
	v35 =	vld [tilespmem:s26+$0x3D00];
	[tilespmem:s16+$0x110] =	vst v31;
	v52 =	vsub.f32 $0.0e+00, v31;
	v62 =	vpop (erf);
	v37 =	vmul.f32 $1.442695020e+00, v61  }
0x110: {  	v54 =	vsub.f32 $0.0e+00, v29;
	[tilespmem:s16+$0x120] =	vst v30;
	(erf) = vpow2.f32 v59;
	v44 =	vpop (erf);
	v42 =	vmul.f32 $1.442695020e+00, v63  }
0x111: {  	[tilespmem:s16+$0x130] =	vst v26;
	v47 =	vmul.f32 $1.442695020e+00, v52;
	v53 =	vpop (erf);
	(erf) = vpow2.f32 v37  }
0x112: {  	v49 =	vmul.f32 $1.442695020e+00, v54;
	[tilespmem:s16+$0x140] =	vst v27;
	v55 =	vpop (erf);
	(erf) = vpow2.f32 v42  }
0x113: {  	[tilespmem:s16+$0x150] =	vst v28;
	v56 =	vpop (erf);
	(erf) = vpow2.f32 v47  }
0x114: {  	v38 =	vmul.f32 v41, v38;
	[tilespmem:s16+$0x160] =	vst v24;
	v57 =	vpop (erf);
	(erf) = vpow2.f32 v49  }
0x115: {  	[tilespmem:s16+$0x170] =	vst v25;
	v39 =	vmul.f32 v43, v39;
	v34 =	vmul.f32 v62, v58;
	v58 =	vadd.f32 $1.000000000e+00, v57  }
0x116: {  	v33 =	vmul.f32 v60, v40;
	[tilespmem:s26+$0x3D40] =	vst v38  }
0x117: {  	[tilespmem:s26+$0x3D50] =	vst v39;
	v59 =	vpop (erf);
	(erf) = vrcp.f32 v58  }
0x118: {  	[tilespmem:s26+$0x3D60] =	vst v33;
	v32 =	vmul.f32 v44, v32;
	v60 =	vadd.f32 $1.000000000e+00, v59;
	v61 =	vpop (erf)  }
0x119: {  	[tilespmem:s26+$0x3D70] =	vst v34;
	v45 =	vmul.f32 v53, v36;
	v62 =	vadd.f32 $1.000000000e+00, v61;
	v63 =	vpop (erf)  }
0x11a: {  	[tilespmem:s26+$0x3D30] =	vst v32;
	v47 =	vmul.f32 v55, v46;
	v44 =	vadd.f32 $1.000000000e+00, v63;
	(erf) = vrcp.f32 v60;
	v49 =	vpop (erf)  }
0x11b: {  	v48 =	vmul.f32 v56, v35;
	[tilespmem:s26+$0x3D20] =	vst v45;
	(erf) = vrcp.f32 v62;
	v50 =	vadd.f32 $1.000000000e+00, v49;
	v51 =	vpop (erf)  }
0x11c: {  	[tilespmem:s26+$0x3D10] =	vst v47;
	(erf) = vrcp.f32 v44;
	v52 =	vadd.f32 $1.000000000e+00, v51;
	v53 =	vpop (erf)  }
0x11d: {  	[tilespmem:s26+$0x3D00] =	vst v48;
	v34 =	vadd.f32 $1.000000000e+00, v53;
	v55 =	vpop (erf);
	(erf) = vrcp.f32 v50  }
0x11e: {  	v38 =	vld [tilespmem:s16+$0x3D40];
	v36 =	vadd.f32 $1.000000000e+00, v55;
	(erf) = vrcp.f32 v52  }
0x11f: {  	v59 =	vld [tilespmem:s16+$0x3D50];
	(erf) = vrcp.f32 v34  }
0x120: {  	v57 =	vld [tilespmem:s16+$0x3D60];
	v58 =	vpop (erf);
	(erf) = vrcp.f32 v36  }
0x121: {  	v56 =	vld [tilespmem:s16+$0x3D70]  }
0x122: {  	v62 =	vld [tilespmem:s16+$0x3D30]  }
0x123: {  	v54 =	vld [tilespmem:s16+$0x3D20];
	v60 =	vpop (erf);
	v47 =	vmul.f32 v58, v38  }
0x124: {  	v45 =	vld [tilespmem:s16+$0x3D10];
	v61 =	vpop (erf);
	v36 =	vmul.f32 v60, v59  }
0x125: {  	v46 =	vld [tilespmem:s16+$0x3D00];
	v63 =	vpop (erf);
	v32 =	vmul.f32 v61, v57;
	[tilespmem:s16+$0x3D40] =	vst v47  }
0x126: {  	v33 =	vmul.f32 v63, v56;
	[tilespmem:s16+$0x3D50] =	vst v36;
	v48 =	vpop (erf)  }
0x127: {  	[tilespmem:s16+$0x3D60] =	vst v32;
	v49 =	vmul.f32 v48, v62;
	v50 =	vpop (erf)  }
0x128: {  	[tilespmem:s16+$0x3D70] =	vst v33;
	v34 =	vmul.f32 v50, v54;
	v51 =	vpop (erf)  }
0x129: {  	v52 =	vmul.f32 v51, v45;
	v53 =	vpop (erf);
	[tilespmem:s16+$0x3D30] =	vst v49  }
0x12a: {  	v54 =	vmul.f32 v53, v46;
	[tilespmem:s16+$0x3D20] =	vst v34  }
0x12b: {  	[tilespmem:s16+$0x3D10] =	vst v52  }
0x12c: {  	s8 =	sadd.s32 s7, s31;
	p2 =	seq.s32 s19, $0x3D;
	s26 =	simm.s32 $0x100;
	[tilespmem:s16+$0x3D00] =	vst v54  }
0x12d: {  	[hbm4b:s8+s12] =	stream.linear.scatter [tilespmem:s26], [sflag:$0x5], $0x1400, $0x38;
	[tilespmem:$0x1DB80] =	vst v63  }
0x12e: {  	s8 =	sadd.s32 @!p2 s18, s24  }
0x12f: {  	[spmem:s10] =	stream.indirect.scatter.add.f32 [tilespmem:s9], [sflag:$0x7], $0x80, s28, s6, $0xb8;
	[tilespmem:$0x1DB80] =	vst v63  }
0x130: {  	s15 =	smul.u32 @!p2 $0x5, s8;
	_ =	swait.ge [sflag:s22], $0x1400  }
0x131: {  	[sflag:s22] =	ssyncset.done $0x0  }
0x132: {  	s26 =	simm.s32 @!p2 $0x0;
	s16 =	sadd.s32 @!p2 s4, s15;
	[sflag:s22] =	ssyncadd.s32 $0xFFFFEC00  }
0x133: {  	[tilespmem:s26], [sflag:$0x1] =	stream.linear.gather @!p2 [hbm4b:s16+s26], $0x28, $0x38;
	[tilespmem:$0x1DB80] =	vst v63  }
0x134: {  	s15 =	sadd.s32 @!p2 s5, s15;
	s16 =	simm.s32 @!p2 $0x80  }
0x135: {  	[tilespmem:s16], [sflag:$0x1] =	stream.linear.gather @!p2 [hbm4b:s15+s26], $0x28, $0x38;
	[tilespmem:$0x1DB80] =	vst v63  }
0x136: {  	s15 =	simm.s32 @!p2 $0x5  }
0x137: {  	_ =	swait.ge @!p2 [sflag:s15], $0x1400  }
0x138: {  	[sflag:s15] =	ssyncset.done @!p2 $0x0  }
0x139: {  	[sflag:s15] =	ssyncadd.s32 @!p2 $0xFFFFEC00;
	s15 =	simm.s32 @!p2 $0x1  }
0x13a: {  	_ =	swait.ge @!p2 [sflag:s15], $0x28  }
0x13b: {  	[sflag:s15] =	ssyncset.done @!p2 $0x0  }
0x13c: {  	[sflag:s15] =	ssyncadd.s32 @!p2 $0xFFFFFFD8  }
0x13d: {  	s8 =	smul.u32 @!p2 $0x280, s8;
	_ =	swait.ge @!p2 [sflag:s15], $0x28  }
0x13e: {  	[sflag:s15] =	ssyncset.done @!p2 $0x0  }
0x13f: {  	s8 =	sadd.s32 @!p2 s0, s8;
	[sflag:s15] =	ssyncadd.s32 @!p2 $0xFFFFFFD8;
	s15 =	simm.s32 @!p2 $0x100  }
0x140: {  	[tilespmem:s15], [sflag:$0x3] =	stream.linear.gather @!p2 [hbm4b:s8+s26], $0x1400, $0x38;
	[tilespmem:$0x1DB80] =	vst v63  }
0x141: {  	s8 =	simm.s32 @!p2 $0x28;
	s15 =	simm.s32 @!p2 $0x1500  }
0x142: {  	[tilespmem:s15], [sflag:$0x3] =	stream.indirect.gather @!p2 [hbm4b:s1+s8], $0x80, s16, s8, $0xb8;
	[tilespmem:$0x1DB80] =	vst v63  }
0x143: {  	s15 =	simm.s32 @!p2 $0x2900  }
0x144: {  	[tilespmem:s15], [sflag:$0x3] =	stream.indirect.gather @!p2 [hbm4b:s2+s8], $0x80, s26, s8, $0xb8;
	[tilespmem:$0x1DB80] =	vst v63  }
0x145: {  	s15 =	simm.s32 @!p2 $0x3D00  }
0x146: {  	[tilespmem:s15], [sflag:$0x3] =	stream.indirect.gather @!p2 [hbm4b:s3+s8], $0x80, s26, s8, $0xb8;
	[tilespmem:$0x1DB80] =	vst v63  }
0x147: {  	_ =	swait.ge [sflag:s23], $0x1400  }
0x148: {  	[sflag:s23] =	ssyncset.done $0x0  }
0x149: {  	[sflag:s23] =	ssyncadd.s32 $0xFFFFEC00  }
0x14a: {  	_ =	swait.ge [sflag:s23], $0x1400  }
0x14b: {  	[sflag:s23] =	ssyncset.done $0x0  }
0x14c: {  	[sflag:s23] =	ssyncadd.s32 $0xFFFFEC00  }
0x14d: {  	_ =	swait.ge [sflag:s23], $0x1400  }
0x14e: {  	[sflag:s23] =	ssyncset.done $0x0  }
0x14f: {  	[sflag:s23] =	ssyncadd.s32 $0xFFFFEC00  }
0x150: {  	_ =	swait.ge [sflag:s23], $0x1400  }
0x151: {  	[sflag:s23] =	ssyncset.done $0x0  }
0x152: {  	s26 =	simm.s32 $0x0;
	[sflag:s23] =	ssyncadd.s32 $0xFFFFEC00  }
0x153: {  	v55 =	vld [tilespmem:s26+$0x7A00]  }
0x154: {  	v33 =	vld [tilespmem:s26+$0x7A10]  }
0x155: {  	v34 =	vld [tilespmem:s26+$0x7A20]  }
0x156: {  	v35 =	vld [tilespmem:s26+$0x7A30]  }
0x157: {  	v36 =	vld [tilespmem:s26+$0x7A40]  }
0x158: {  	v37 =	vld [tilespmem:s26+$0x7A50]  }
0x159: {  	v1 =	vadd.f32 v16, v1;
	v16 =	vmul.f32 v16, v16;
	v56 =	vld [tilespmem:s26+$0x6600]  }
0x15a: {  	v2 =	vadd.f32 v17, v2;
	v3 =	vadd.f32 v18, v3;
	v17 =	vmul.f32 v17, v17;
	v57 =	vld [tilespmem:s26+$0x6610]  }
0x15b: {  	v4 =	vadd.f32 v19, v4;
	v6 =	vadd.f32 v16, v6;
	v16 =	vmul.f32 v18, v18;
	v58 =	vld [tilespmem:s26+$0x6620]  }
0x15c: {  	v19 =	vmul.f32 v19, v19;
	v5 =	vadd.f32 v22, v5;
	v7 =	vadd.f32 v17, v7;
	v60 =	vld [tilespmem:s26+$0x6640]  }
0x15d: {  	v22 =	vmul.f32 v22, v22;
	v10 =	vadd.f32 v16, v10;
	v16 =	vmul.f32 v23, v23;
	v61 =	vld [tilespmem:s26+$0x6650]  }
0x15e: {  	v0 =	vadd.f32 v23, v0;
	v9 =	vadd.f32 v19, v9;
	v19 =	vmul.f32 v21, v21;
	v63 =	vld [tilespmem:s26+$0x5200]  }
0x15f: {  	v11 =	vadd.f32 v22, v11;
	v8 =	vadd.f32 v16, v8;
	v16 =	vmul.f32 v20, v20;
	v18 =	vld [tilespmem:s26+$0x5210]  }
0x160: {  	v14 =	vadd.f32 v21, v14;
	v15 =	vadd.f32 v20, v15;
	v17 =	vld [tilespmem:s26+$0x5220]  }
0x161: {  	v12 =	vadd.f32 v19, v12;
	v13 =	vadd.f32 v16, v13;
	v54 =	vld [tilespmem:s26+$0x5240]  }
0x162: {  	v1 =	vadd.f32 v29, v1;
	v15 =	vadd.f32 v25, v15;
	v22 =	vld [tilespmem:s26+$0x5250]  }
0x163: {  	v0 =	vadd.f32 v28, v0;
	v2 =	vadd.f32 v31, v2;
	v59 =	vld [tilespmem:s26+$0x6630]  }
0x164: {  	v3 =	vadd.f32 v30, v3;
	v53 =	vld [tilespmem:s26+$0x5230];
	v23 =	vadd.f32 v56, v63  }
0x165: {  	v62 =	vld [tilespmem:s26+$0x6660];
	v18 =	vadd.f32 v57, v18;
	v17 =	vadd.f32 v58, v17  }
0x166: {  	v19 =	vadd.f32 v60, v54;
	v32 =	vadd.f32 v55, v23;
	v23 =	vld [tilespmem:s26+$0x5260]  }
0x167: {  	v38 =	vld [tilespmem:s26+$0x7A60];
	v20 =	vadd.f32 v61, v22;
	v56 =	vadd.f32 v26, v4  }
0x168: {  	v52 =	vld [tilespmem:s26+$0x6670];
	v4 =	vmul.f32 v29, v29;
	v29 =	vadd.f32 v27, v5;
	v33 =	vadd.f32 v33, v18  }
0x169: {  	v55 =	vld [tilespmem:s26+$0x5270];
	v18 =	vadd.f32 v59, v53;
	v34 =	vadd.f32 v34, v17  }
0x16a: {  	v21 =	vmul.f32 v31, v31;
	v36 =	vadd.f32 v36, v19;
	v37 =	vadd.f32 v37, v20  }
0x16b: {  	v39 =	vld [tilespmem:s26+$0x7A70];
	v31 =	vadd.f32 v4, v6;
	v6 =	vmul.f32 v26, v26;
	v5 =	vadd.f32 v62, v23  }
0x16c: {  	v26 =	vadd.f32 v21, v7;
	v35 =	vadd.f32 v35, v18  }
0x16d: {  	v9 =	vadd.f32 v6, v9;
	v38 =	vadd.f32 v38, v5;
	v5 =	vmul.f32 v30, v30  }
0x16e: {  	v7 =	vmul.f32 v27, v27;
	v6 =	vsub.f32 $0.0e+00, v37;
	v4 =	vadd.f32 v52, v55  }
0x16f: {  	v40 =	vld [tilespmem:s26+$0x8E50];
	v27 =	vmul.f32 v28, v28;
	v10 =	vadd.f32 v5, v10;
	v5 =	vsub.f32 $0.0e+00, v36  }
0x170: {  	v46 =	vld [tilespmem:s26+$0x8E60];
	v28 =	vmul.f32 v25, v25;
	v11 =	vadd.f32 v7, v11;
	v30 =	vadd.f32 v39, v4  }
0x171: {  	v47 =	vld [tilespmem:s26+$0x8E70];
	v57 =	vadd.f32 v27, v8;
	v7 =	vsub.f32 $0.0e+00, v38;
	v5 =	vmul.f32 $1.442695020e+00, v5  }
0x172: {  	s31 =	simm.s32 $0x80;
	v25 =	vld [tilespmem:s26+$0x8E20];
	[tilespmem:s26+$0x5200] =	vst v32;
	v6 =	vmul.f32 $1.442695020e+00, v6;
	v4 =	vmul.f32 v24, v24;
	v8 =	vsub.f32 $0.0e+00, v30  }
0x173: {  	v16 =	vld [tilespmem:s31+$0x7A00];
	[tilespmem:s26+$0x5210] =	vst v33;
	v27 =	vsub.f32 $0.0e+00, v35;
	v7 =	vmul.f32 $1.442695020e+00, v7;
	(erf) = vpow2.f32 v5  }
0x174: {  	v17 =	vld [tilespmem:s31+$0x7A10];
	[tilespmem:s26+$0x5220] =	vst v34;
	v12 =	vadd.f32 v4, v12;
	v4 =	vmul.f32 $1.442695020e+00, v8;
	(erf) = vpow2.f32 v6  }
0x175: {  	v18 =	vld [tilespmem:s31+$0x7A20];
	[tilespmem:s26+$0x5230] =	vst v35;
	v5 =	vmul.f32 $1.442695020e+00, v27;
	(erf) = vpow2.f32 v7  }
0x176: {  	v19 =	vld [tilespmem:s31+$0x7A30];
	[tilespmem:s26+$0x5240] =	vst v36;
	(erf) = vpow2.f32 v4  }
0x177: {  	v20 =	vld [tilespmem:s31+$0x7A40];
	[tilespmem:s26+$0x5250] =	vst v37;
	v7 =	vsub.f32 $0.0e+00, v34;
	(erf) = vpow2.f32 v5;
	v5 =	vsub.f32 $0.0e+00, v32  }
0x178: {  	v21 =	vld [tilespmem:s31+$0x7A50];
	[tilespmem:s26+$0x5260] =	vst v38;
	v8 =	vsub.f32 $0.0e+00, v33;
	v6 =	vadd.f32 v32, v1  }
0x179: {  	v22 =	vld [tilespmem:s31+$0x7A60];
	[tilespmem:s26+$0x5270] =	vst v30;
	v1 =	vmul.f32 $1.442695020e+00, v7;
	v7 =	vadd.f32 v34, v3;
	v3 =	vmul.f32 $1.442695020e+00, v5  }
0x17a: {  	v23 =	vld [tilespmem:s31+$0x7A70];
	v8 =	vmul.f32 $1.442695020e+00, v8  }
0x17b: {  	v60 =	vmul.f32 v36, v36;
	v41 =	vld [tilespmem:s31+$0x6600];
	(erf) = vpow2.f32 v1  }
0x17c: {  	v14 =	vadd.f32 v24, v14;
	v13 =	vadd.f32 v28, v13;
	v42 =	vld [tilespmem:s31+$0x6610];
	(erf) = vpow2.f32 v8  }
0x17d: {  	v11 =	vadd.f32 v60, v11;
	v62 =	vmul.f32 v37, v37;
	v43 =	vld [tilespmem:s31+$0x6620];
	(erf) = vpow2.f32 v3;
	v3 =	vpop (erf)  }
0x17e: {  	v53 =	vmul.f32 v38, v38;
	v44 =	vld [tilespmem:s31+$0x6630];
	v32 =	vmul.f32 v32, v32;
	v58 =	vadd.f32 $1.000000000e+00, v3  }
0x17f: {  	v14 =	vadd.f32 v38, v14;
	v24 =	vld [tilespmem:s31+$0x6640];
	v4 =	vadd.f32 v33, v2;
	v8 =	vmul.f32 v33, v33  }
0x180: {  	v45 =	vld [tilespmem:s31+$0x6650];
	v1 =	vadd.f32 v37, v0;
	v0 =	vadd.f32 v32, v31;
	v59 =	vpop (erf);
	(erf) = vrcp.f32 v58  }
0x181: {  	v28 =	vld [tilespmem:s31+$0x6670];
	v31 =	vmul.f32 v34, v34;
	v3 =	vadd.f32 v8, v26;
	v8 =	vadd.f32 $1.000000000e+00, v59;
	v26 =	vpop (erf)  }
0x182: {  	v52 =	vld [tilespmem:s31+$0x5200];
	v5 =	vadd.f32 v35, v56;
	v35 =	vmul.f32 v35, v35;
	v26 =	vadd.f32 $1.000000000e+00, v26;
	v61 =	vpop (erf)  }
0x183: {  	v54 =	vld [tilespmem:s31+$0x5220];
	v32 =	vadd.f32 $1.000000000e+00, v61;
	v63 =	vpop (erf);
	(erf) = vrcp.f32 v8;
	v8 =	vadd.f32 v31, v10  }
0x184: {  	v60 =	vld [tilespmem:s31+$0x5250];
	v10 =	vadd.f32 v35, v9;
	v31 =	vadd.f32 $1.000000000e+00, v63;
	(erf) = vrcp.f32 v26;
	v55 =	vpop (erf)  }
0x185: {  	v38 =	vld [tilespmem:s31+$0x5260];
	v9 =	vadd.f32 v62, v57;
	(erf) = vrcp.f32 v32;
	v34 =	vadd.f32 $1.000000000e+00, v55;
	v57 =	vpop (erf)  }
0x186: {  	v2 =	vadd.f32 v36, v29;
	v26 =	vld [tilespmem:s31+$0x5210];
	(erf) = vrcp.f32 v31;
	v36 =	vadd.f32 $1.000000000e+00, v57;
	v61 =	vpop (erf)  }
0x187: {  	v33 =	vld [tilespmem:s26+$0x8E40];
	(erf) = vrcp.f32 v34;
	v62 =	vadd.f32 $1.000000000e+00, v61  }
0x188: {  	v15 =	vadd.f32 v30, v15;
	v31 =	vld [tilespmem:s31+$0x5230];
	(erf) = vrcp.f32 v36  }
0x189: {  	v56 =	vmul.f32 v30, v30;
	v59 =	vadd.f32 v41, v52;
	v58 =	vld [tilespmem:s31+$0x5240];
	v30 =	vpop (erf);
	(erf) = vrcp.f32 v62  }
0x18a: {  	v12 =	vadd.f32 v53, v12;
	v27 =	vld [tilespmem:s31+$0x6660]  }
0x18b: {  	v29 =	vld [tilespmem:s26+$0x8E30];
	v16 =	vadd.f32 v16, v59;
	v26 =	vadd.f32 v42, v26  }
0x18c: {  	v37 =	vld [tilespmem:s31+$0x5270];
	v13 =	vadd.f32 v56, v13;
	v63 =	vadd.f32 v43, v54;
	v32 =	vmul.f32 v30, v33;
	v30 =	vpop (erf)  }
0x18d: {  	v35 =	vld [tilespmem:s26+$0x8E10];
	[tilespmem:s31+$0x5200] =	vst v16;
	v17 =	vadd.f32 v17, v26;
	v26 =	vadd.f32 v44, v31;
	v33 =	vmul.f32 v30, v40;
	v30 =	vpop (erf)  }
0x18e: {  	s15 =	simm.s32 $0x100;
	v18 =	vadd.f32 v18, v63;
	v34 =	vld [tilespmem:s26+$0x8E00];
	v41 =	vadd.f32 v24, v58;
	v36 =	vmul.f32 v30, v46;
	v30 =	vpop (erf)  }
0x18f: {  	s8 =	simm.s32 $0x600;
	v24 =	vld [tilespmem:s15+$0x7A00];
	v42 =	vadd.f32 v45, v60;
	[tilespmem:s31+$0x5210] =	vst v17;
	v19 =	vadd.f32 v19, v26;
	v39 =	vmul.f32 v30, v47;
	v40 =	vpop (erf)  }
.LBB2_5:
0x190: {  	p3 =	sne.s32 s8, $0x4E00;
	v31 =	vld [tilespmem:s15+$0x7A10];
	[tilespmem:s31+$0x5220] =	vst v18;
	v41 =	vadd.f32 v20, v41;
	v20 =	vadd.f32 v27, v38;
	v27 =	vmul.f32 v40, v29;
	v26 =	vpop (erf)  }
0x191: {  	v30 =	vld [tilespmem:s15+$0x7A20];
	[tilespmem:s31+$0x5230] =	vst v19;
	v29 =	vadd.f32 v21, v42;
	v21 =	vadd.f32 v28, v37;
	v25 =	vmul.f32 v26, v25;
	v28 =	vpop (erf)  }
0x192: {  	v26 =	vld [tilespmem:s15+$0x7A30];
	v37 =	vsub.f32 $0.0e+00, v41;
	[tilespmem:s31+$0x5240] =	vst v41;
	v38 =	vadd.f32 v22, v20;
	v28 =	vmul.f32 v28, v35;
	v22 =	vpop (erf)  }
0x193: {  	v20 =	vld [tilespmem:s15+$0x7A40];
	v35 =	vsub.f32 $0.0e+00, v29;
	[tilespmem:s31+$0x5250] =	vst v29;
	v40 =	vadd.f32 v23, v21;
	v34 =	vmul.f32 v22, v34  }
0x194: {  	v42 =	vsub.f32 $0.0e+00, v19;
	v21 =	vld [tilespmem:s15+$0x7A50];
	v37 =	vmul.f32 $1.442695020e+00, v37;
	v43 =	vsub.f32 $0.0e+00, v38;
	[tilespmem:s31+$0x5260] =	vst v38  }
0x195: {  	v44 =	vsub.f32 $0.0e+00, v18;
	v22 =	vld [tilespmem:s15+$0x7A60];
	v35 =	vmul.f32 $1.442695020e+00, v35;
	v45 =	vsub.f32 $0.0e+00, v40;
	[tilespmem:s31+$0x5270] =	vst v40  }
0x196: {  	v46 =	vsub.f32 $0.0e+00, v17;
	v23 =	vld [tilespmem:s15+$0x7A70];
	v43 =	vmul.f32 $1.442695020e+00, v43;
	(erf) = vpow2.f32 v37;
	[tilespmem:s26+$0x8E70] =	vst v39  }
0x197: {  	v39 =	vsub.f32 $0.0e+00, v16;
	v37 =	vld [tilespmem:s15+$0x6600];
	v45 =	vmul.f32 $1.442695020e+00, v45;
	(erf) = vpow2.f32 v35;
	[tilespmem:s26+$0x8E60] =	vst v36  }
0x198: {  	v6 =	vadd.f32 v16, v6;
	v36 =	vmul.f32 $1.442695020e+00, v42;
	v35 =	vld [tilespmem:s15+$0x6610];
	(erf) = vpow2.f32 v43;
	[tilespmem:s26+$0x8E50] =	vst v33  }
0x199: {  	v4 =	vadd.f32 v17, v4;
	v42 =	vmul.f32 $1.442695020e+00, v44;
	v33 =	vld [tilespmem:s15+$0x6620];
	(erf) = vpow2.f32 v45;
	[tilespmem:s26+$0x8E40] =	vst v32  }
0x19a: {  	v7 =	vadd.f32 v18, v7;
	v32 =	vmul.f32 $1.442695020e+00, v46;
	v43 =	vld [tilespmem:s15+$0x6630];
	(erf) = vpow2.f32 v36;
	[tilespmem:s26+$0x8E30] =	vst v27  }
0x19b: {  	v5 =	vadd.f32 v19, v5;
	v39 =	vmul.f32 $1.442695020e+00, v39;
	v36 =	vld [tilespmem:s15+$0x6640];
	(erf) = vpow2.f32 v42;
	[tilespmem:s26+$0x8E20] =	vst v25  }
0x19c: {  	v2 =	vadd.f32 v41, v2;
	v16 =	vmul.f32 v16, v16;
	v42 =	vld [tilespmem:s15+$0x6650];
	(erf) = vpow2.f32 v32;
	[tilespmem:s26+$0x8E10] =	vst v28  }
0x19d: {  	v17 =	vmul.f32 v17, v17;
	v1 =	vadd.f32 v29, v1;
	v27 =	vld [tilespmem:s15+$0x6660];
	(erf) = vpow2.f32 v39;
	[tilespmem:s26+$0x8E00] =	vst v34;
	s26 =	smov.u32 s31;
	s31 =	smov.u32 s15  }
0x19e: {  	v0 =	vadd.f32 v16, v0;
	v16 =	vmul.f32 v18, v18;
	v18 =	vmul.f32 v19, v19;
	v28 =	vld [tilespmem:s31+$0x6670]  }
0x19f: {  	v3 =	vadd.f32 v17, v3;
	v17 =	vmul.f32 v41, v41;
	v19 =	vmul.f32 v29, v29;
	v25 =	vld [tilespmem:s26+$0x8E20];
	v32 =	vpop (erf)  }
0x1a0: {  	v34 =	vmul.f32 v38, v38;
	v39 =	vmul.f32 v40, v40;
	v29 =	vld [tilespmem:s26+$0x8E30];
	v45 =	vadd.f32 $1.000000000e+00, v32;
	v41 =	vpop (erf)  }
0x1a1: {  	v8 =	vadd.f32 v16, v8;
	v44 =	vld [tilespmem:s26+$0x8E40];
	v16 =	vadd.f32 $1.000000000e+00, v41;
	v41 =	vpop (erf)  }
0x1a2: {  	v10 =	vadd.f32 v18, v10;
	v18 =	vld [tilespmem:s26+$0x8E50];
	v41 =	vadd.f32 $1.000000000e+00, v41;
	(erf) = vrcp.f32 v45;
	v32 =	vpop (erf)  }
0x1a3: {  	v11 =	vadd.f32 v17, v11;
	v45 =	vld [tilespmem:s26+$0x8E60];
	v17 =	vadd.f32 $1.000000000e+00, v32;
	v32 =	vpop (erf);
	(erf) = vrcp.f32 v16  }
0x1a4: {  	v9 =	vadd.f32 v19, v9;
	v16 =	vadd.f32 $1.000000000e+00, v32;
	v46 =	vld [tilespmem:s26+$0x8E70];
	v19 =	vpop (erf);
	(erf) = vrcp.f32 v41  }
0x1a5: {  	v12 =	vadd.f32 v34, v12;
	v32 =	vld [tilespmem:s31+$0x5200];
	v19 =	vadd.f32 $1.000000000e+00, v19;
	v34 =	vpop (erf);
	(erf) = vrcp.f32 v17  }
0x1a6: {  	v13 =	vadd.f32 v39, v13;
	v17 =	vld [tilespmem:s31+$0x5210];
	v34 =	vadd.f32 $1.000000000e+00, v34;
	v39 =	vpop (erf);
	(erf) = vrcp.f32 v16  }
0x1a7: {  	v14 =	vadd.f32 v38, v14;
	v41 =	vld [tilespmem:s31+$0x5220];
	v16 =	vadd.f32 $1.000000000e+00, v39;
	(erf) = vrcp.f32 v19  }
0x1a8: {  	v15 =	vadd.f32 v40, v15;
	v19 =	vld [tilespmem:s31+$0x5230];
	(erf) = vrcp.f32 v34  }
0x1a9: {  	v34 =	vld [tilespmem:s31+$0x5240];
	(erf) = vrcp.f32 v16  }
0x1aa: {  	v16 =	vadd.f32 v37, v32;
	v39 =	vld [tilespmem:s31+$0x5250]  }
.Ltmp3:
0x1ab: {  	v17 =	vadd.f32 v35, v17;
	v38 =	vld [tilespmem:s31+$0x5260];
	v32 =	vpop (erf);
	(pc) =	sbr.rel @p3 .LBB2_5-.Ltmp3, $4  }
0x1ac: {  	v16 =	vadd.f32 v24, v16;
	v24 =	vadd.f32 v33, v41;
	v37 =	vld [tilespmem:s31+$0x5270];
	v32 =	vmul.f32 v32, v44;
	v33 =	vpop (erf)  }
0x1ad: {  	v17 =	vadd.f32 v31, v17;
	v19 =	vadd.f32 v43, v19;
	v35 =	vld [tilespmem:s26+$0x8E10];
	v33 =	vmul.f32 v33, v18;
	v31 =	vpop (erf)  }
0x1ae: {  	s15 =	sshra.s32 s8, $0x2;
	[tilespmem:s31+$0x5200] =	vst v16;
	v18 =	vadd.f32 v30, v24;
	v41 =	vadd.f32 v36, v34;
	v34 =	vld [tilespmem:s26+$0x8E00];
	v36 =	vmul.f32 v31, v45;
	v30 =	vpop (erf)  }
0x1af: {  	s8 =	sadd.s32 $0x200, s8;
	v24 =	vld [tilespmem:s15+$0x7A00];
	[tilespmem:s31+$0x5210] =	vst v17;
	v19 =	vadd.f32 v26, v19;
	v42 =	vadd.f32 v42, v39;
	v39 =	vmul.f32 v30, v46;
	v40 =	vpop (erf)  }
0x1b0: {  	v30 =	vld [tilespmem:s15+$0x7A10];
	[tilespmem:s31+$0x5220] =	vst v18;
	v26 =	vadd.f32 v20, v41;
	v62 =	vadd.f32 v27, v38  }
0x1b1: {  	v31 =	vld [tilespmem:s15+$0x7A20];
	[tilespmem:s31+$0x5230] =	vst v19;
	v27 =	vadd.f32 v21, v42;
	v28 =	vadd.f32 v28, v37  }
0x1b2: {  	v41 =	vld [tilespmem:s15+$0x7A30];
	[tilespmem:s31+$0x5240] =	vst v26;
	v21 =	vadd.f32 v22, v62  }
0x1b3: {  	v38 =	vld [tilespmem:s15+$0x7A40];
	[tilespmem:s31+$0x5250] =	vst v27;
	v20 =	vadd.f32 v23, v28  }
0x1b4: {  	v63 =	vsub.f32 $0.0e+00, v26;
	v22 =	vld [tilespmem:s15+$0x7A50];
	[tilespmem:s31+$0x5260] =	vst v21  }
0x1b5: {  	v46 =	vsub.f32 $0.0e+00, v27;
	v23 =	vld [tilespmem:s15+$0x7A60];
	[tilespmem:s31+$0x5270] =	vst v20  }
0x1b6: {  	v29 =	vmul.f32 v40, v29;
	v45 =	vpop (erf);
	v43 =	vsub.f32 $0.0e+00, v21;
	v37 =	vld [tilespmem:s15+$0x7A70];
	[tilespmem:s26+$0x8E70] =	vst v39;
	v39 =	vmul.f32 $1.442695020e+00, v63  }
0x1b7: {  	v25 =	vmul.f32 v45, v25;
	v49 =	vmul.f32 $1.442695020e+00, v46;
	v50 =	vsub.f32 $0.0e+00, v20;
	v28 =	vld [tilespmem:s15+$0x6600];
	[tilespmem:s26+$0x8E60] =	vst v36  }
0x1b8: {  	v47 =	vpop (erf);
	v43 =	vmul.f32 $1.442695020e+00, v43;
	v42 =	vld [tilespmem:s15+$0x6610];
	[tilespmem:s26+$0x8E50] =	vst v33;
	(erf) = vpow2.f32 v39  }
0x1b9: {  	v36 =	vmul.f32 $1.442695020e+00, v50;
	v40 =	vld [tilespmem:s15+$0x6620];
	[tilespmem:s26+$0x8E40] =	vst v32;
	(erf) = vpow2.f32 v49  }
0x1ba: {  	v48 =	vmul.f32 v47, v35;
	v54 =	vpop (erf);
	v35 =	vld [tilespmem:s15+$0x6630];
	(erf) = vpow2.f32 v43;
	[tilespmem:s26+$0x8E30] =	vst v29  }
0x1bb: {  	(erf) = vpow2.f32 v36;
	v36 =	vld [tilespmem:s15+$0x6640];
	[tilespmem:s26+$0x8E20] =	vst v25;
	v25 =	vmul.f32 v54, v34  }
0x1bc: {  	v55 =	vld [tilespmem:s15+$0x6650];
	[tilespmem:s26+$0x8E10] =	vst v48  }
0x1bd: {  	v33 =	vld [tilespmem:s15+$0x6660];
	[tilespmem:s26+$0x8E00] =	vst v25  }
0x1be: {  	v44 =	vsub.f32 $0.0e+00, v19;
	v58 =	vld [tilespmem:s15+$0x5200]  }
0x1bf: {  	v51 =	vsub.f32 $0.0e+00, v18;
	v59 =	vld [tilespmem:s15+$0x5210]  }
0x1c0: {  	v52 =	vsub.f32 $0.0e+00, v17;
	v44 =	vmul.f32 $1.442695020e+00, v44;
	v46 =	vld [tilespmem:s15+$0x5240]  }
0x1c1: {  	v53 =	vsub.f32 $0.0e+00, v16;
	v32 =	vmul.f32 $1.442695020e+00, v51;
	v48 =	vld [tilespmem:s15+$0x5250]  }
0x1c2: {  	v39 =	vmul.f32 $1.442695020e+00, v52;
	(erf) = vpow2.f32 v44;
	v50 =	vld [tilespmem:s15+$0x5260]  }
0x1c3: {  	v29 =	vmul.f32 $1.442695020e+00, v53;
	(erf) = vpow2.f32 v32;
	v51 =	vld [tilespmem:s15+$0x5270]  }
0x1c4: {  	(erf) = vpow2.f32 v39;
	v54 =	vld [tilespmem:s15+$0x5230];
	v56 =	vpop (erf)  }
0x1c5: {  	(erf) = vpow2.f32 v29;
	v29 =	vld [tilespmem:s15+$0x6670];
	v57 =	vpop (erf)  }
0x1c6: {  	v25 =	vadd.f32 $1.000000000e+00, v56;
	v34 =	vadd.f32 $1.000000000e+00, v57  }
0x1c7: {  	v39 =	vadd.f32 v28, v58;
	v53 =	vadd.f32 v36, v46  }
0x1c8: {  	v42 =	vadd.f32 v42, v59;
	v32 =	vadd.f32 v55, v48  }
0x1c9: {  	v43 =	vpop (erf);
	v33 =	vadd.f32 v33, v50;
	v35 =	vadd.f32 v35, v54  }
0x1ca: {  	v45 =	vpop (erf);
	v43 =	vadd.f32 $1.000000000e+00, v43;
	(erf) = vrcp.f32 v25;
	v29 =	vadd.f32 v29, v51  }
0x1cb: {  	v47 =	vpop (erf);
	v45 =	vadd.f32 $1.000000000e+00, v45;
	(erf) = vrcp.f32 v34;
	v25 =	vadd.f32 v38, v53  }
0x1cc: {  	v55 =	vld [tilespmem:s15+$0x5220];
	v28 =	vadd.f32 v22, v32;
	v49 =	vpop (erf);
	v60 =	vadd.f32 $1.000000000e+00, v47;
	(erf) = vrcp.f32 v43  }
0x1cd: {  	v22 =	vadd.f32 v23, v33;
	v61 =	vadd.f32 $1.000000000e+00, v49;
	v62 =	vpop (erf);
	(erf) = vrcp.f32 v45  }
0x1ce: {  	v56 =	vsub.f32 $0.0e+00, v25;
	v63 =	vadd.f32 $1.000000000e+00, v62;
	v49 =	vpop (erf);
	(erf) = vrcp.f32 v60  }
0x1cf: {  	v36 =	vld [tilespmem:s31+$0x8E20];
	v24 =	vadd.f32 v24, v39;
	v52 =	vadd.f32 $1.000000000e+00, v49;
	(erf) = vrcp.f32 v61  }
0x1d0: {  	v46 =	vld [tilespmem:s31+$0x8E10];
	v23 =	vadd.f32 v37, v29;
	v58 =	vmul.f32 $1.442695020e+00, v56;
	(erf) = vrcp.f32 v63  }
0x1d1: {  	v32 =	vld [tilespmem:s31+$0x8E30];
	v57 =	vsub.f32 $0.0e+00, v28;
	v38 =	vadd.f32 v40, v55;
	(erf) = vrcp.f32 v52  }
0x1d2: {  	v33 =	vld [tilespmem:s31+$0x8E40];
	v29 =	vadd.f32 v41, v35;
	v59 =	vsub.f32 $0.0e+00, v22;
	(erf) = vpow2.f32 v58  }
0x1d3: {  	v39 =	vld [tilespmem:s31+$0x8E60];
	v60 =	vsub.f32 $0.0e+00, v23;
	v43 =	vmul.f32 $1.442695020e+00, v57;
	v31 =	vadd.f32 v31, v38;
	v40 =	vpop (erf)  }
0x1d4: {  	v30 =	vadd.f32 v30, v42;
	v37 =	vld [tilespmem:s31+$0x8E50];
	v34 =	vmul.f32 $1.442695020e+00, v59;
	v52 =	vsub.f32 $0.0e+00, v29;
	v41 =	vpop (erf)  }
0x1d5: {  	v61 =	vld [tilespmem:s31+$0x8E70];
	[tilespmem:s15+$0x5200] =	vst v24;
	v62 =	vmul.f32 $1.442695020e+00, v60;
	v54 =	vsub.f32 $0.0e+00, v31;
	(erf) = vpow2.f32 v43;
	v63 =	vpop (erf)  }
0x1d6: {  	v56 =	vsub.f32 $0.0e+00, v30;
	v38 =	vld [tilespmem:s31+$0x8E00];
	[tilespmem:s15+$0x5210] =	vst v30;
	v42 =	vmul.f32 $1.442695020e+00, v52;
	(erf) = vpow2.f32 v34;
	v53 =	vpop (erf)  }
0x1d7: {  	[tilespmem:s15+$0x5230] =	vst v29;
	v58 =	vsub.f32 $0.0e+00, v24;
	v43 =	vmul.f32 $1.442695020e+00, v54;
	(erf) = vpow2.f32 v62;
	v55 =	vpop (erf)  }
0x1d8: {  	[tilespmem:s15+$0x5240] =	vst v25;
	v47 =	vmul.f32 $1.442695020e+00, v56;
	(erf) = vpow2.f32 v42;
	v57 =	vpop (erf)  }
0x1d9: {  	[tilespmem:s15+$0x5250] =	vst v28;
	v49 =	vmul.f32 $1.442695020e+00, v58;
	(erf) = vpow2.f32 v43;
	v59 =	vpop (erf)  }
0x1da: {  	[tilespmem:s15+$0x5260] =	vst v22;
	v33 =	vmul.f32 v40, v33;
	(erf) = vpow2.f32 v47;
	v60 =	vpop (erf)  }
0x1db: {  	[tilespmem:s15+$0x5270] =	vst v23;
	v35 =	vmul.f32 v53, v61;
	(erf) = vpow2.f32 v49;
	v61 =	vpop (erf)  }
0x1dc: {  	[tilespmem:s15+$0x5220] =	vst v31;
	v37 =	vmul.f32 v41, v37;
	v62 =	vadd.f32 $1.000000000e+00, v61  }
0x1dd: {  	v34 =	vmul.f32 v63, v39;
	[tilespmem:s31+$0x8E40] =	vst v33  }
0x1de: {  	[tilespmem:s31+$0x8E50] =	vst v37;
	v63 =	vpop (erf);
	(erf) = vrcp.f32 v62  }
0x1df: {  	[tilespmem:s31+$0x8E60] =	vst v34;
	v32 =	vmul.f32 v55, v32;
	v47 =	vadd.f32 $1.000000000e+00, v63;
	v49 =	vpop (erf)  }
0x1e0: {  	[tilespmem:s31+$0x8E70] =	vst v35;
	v53 =	vmul.f32 v57, v36;
	v50 =	vadd.f32 $1.000000000e+00, v49;
	v51 =	vpop (erf)  }
0x1e1: {  	v54 =	vmul.f32 v59, v46;
	[tilespmem:s31+$0x8E30] =	vst v32;
	v52 =	vadd.f32 $1.000000000e+00, v51;
	(erf) = vrcp.f32 v47;
	v56 =	vpop (erf)  }
0x1e2: {  	v55 =	vmul.f32 v60, v38;
	[tilespmem:s31+$0x8E20] =	vst v53;
	(erf) = vrcp.f32 v50;
	v57 =	vadd.f32 $1.000000000e+00, v56;
	v58 =	vpop (erf)  }
0x1e3: {  	[tilespmem:s31+$0x8E10] =	vst v54;
	(erf) = vrcp.f32 v52;
	v59 =	vadd.f32 $1.000000000e+00, v58;
	v60 =	vpop (erf)  }
0x1e4: {  	[tilespmem:s31+$0x8E00] =	vst v55;
	v34 =	vadd.f32 $1.000000000e+00, v60;
	v61 =	vpop (erf);
	(erf) = vrcp.f32 v57  }
0x1e5: {  	v49 =	vld [tilespmem:s15+$0x8E40];
	v36 =	vadd.f32 $1.000000000e+00, v61;
	(erf) = vrcp.f32 v59  }
0x1e6: {  	v6 =	vadd.f32 v16, v6;
	v4 =	vadd.f32 v17, v4;
	v46 =	vld [tilespmem:s15+$0x8E50];
	(erf) = vrcp.f32 v34  }
0x1e7: {  	v48 =	vadd.f32 v26, v2;
	v2 =	vmul.f32 v17, v17;
	v63 =	vld [tilespmem:s15+$0x8E60];
	v45 =	vpop (erf);
	(erf) = vrcp.f32 v36  }
0x1e8: {  	v7 =	vadd.f32 v18, v7;
	v62 =	vld [tilespmem:s15+$0x8E70];
	v51 =	vadd.f32 v27, v1;
	v1 =	vmul.f32 v19, v19  }
0x1e9: {  	v16 =	vmul.f32 v16, v16;
	v17 =	vmul.f32 v18, v18;
	v53 =	vld [tilespmem:s15+$0x8E30];
	v56 =	vadd.f32 v2, v3  }
0x1ea: {  	v35 =	vld [tilespmem:s15+$0x8E20];
	v2 =	vmul.f32 v21, v21;
	v59 =	vadd.f32 v1, v10;
	v47 =	vpop (erf);
	v1 =	vmul.f32 v45, v49  }
0x1eb: {  	v5 =	vadd.f32 v19, v5;
	v8 =	vadd.f32 v17, v8;
	v55 =	vld [tilespmem:s15+$0x8E10];
	v50 =	vpop (erf);
	v17 =	vmul.f32 v47, v46  }
0x1ec: {  	v16 =	vadd.f32 v16, v0;
	v0 =	vmul.f32 v27, v27;
	v57 =	vld [tilespmem:s15+$0x8E00];
	v54 =	vpop (erf);
	v3 =	vmul.f32 v50, v63;
	[tilespmem:s15+$0x8E40] =	vst v1  }
0x1ed: {  	v14 =	vadd.f32 v21, v14;
	v15 =	vadd.f32 v20, v15;
	v33 =	vmul.f32 v54, v62;
	v10 =	vpop (erf);
	[tilespmem:s15+$0x8E50] =	vst v17  }
0x1ee: {  	v60 =	vadd.f32 v0, v9;
	v12 =	vadd.f32 v2, v12;
	[tilespmem:s15+$0x8E60] =	vst v3;
	v0 =	vmul.f32 v10, v53;
	v2 =	vpop (erf)  }
0x1ef: {  	v14 =	vadd.f32 v22, v14;
	v15 =	vadd.f32 v23, v15;
	[tilespmem:s15+$0x8E70] =	vst v33;
	v9 =	vmul.f32 v2, v35;
	v2 =	vpop (erf)  }
0x1f0: {  	v58 =	vmul.f32 v20, v20;
	v1 =	vadd.f32 v24, v6;
	v6 =	vmul.f32 v2, v55;
	[tilespmem:s15+$0x8E30] =	vst v0;
	v10 =	vpop (erf)  }
0x1f1: {  	v52 =	vmul.f32 v26, v26;
	v3 =	vadd.f32 v31, v7;
	[tilespmem:s15+$0x8E20] =	vst v9;
	v7 =	vmul.f32 v10, v57  }
0x1f2: {  	v13 =	vadd.f32 v58, v13;
	v63 =	vmul.f32 v23, v23;
	v62 =	vmul.f32 v22, v22;
	[tilespmem:s15+$0x8E10] =	vst v6  }
0x1f3: {  	s8 =	sadd.s32 s7, s25;
	v11 =	vadd.f32 v52, v11;
	v61 =	vmul.f32 v28, v28;
	v17 =	vmul.f32 v31, v31;
	[tilespmem:s15+$0x8E00] =	vst v7  }
0x1f4: {  	v13 =	vadd.f32 v63, v13;
	v12 =	vadd.f32 v62, v12;
	v9 =	vmul.f32 v24, v24;
	[hbm4b:s8+s12] =	stream.linear.scatter [tilespmem:s14], [sflag:$0x6], $0x1400, $0x38;
	[tilespmem:$0x1DB80] =	vst v63  }
.Ltmp4:
0x1f5: {  	v2 =	vadd.f32 v30, v4;
	v4 =	vadd.f32 v29, v5;
	v10 =	vmul.f32 v30, v30;
	(pc) =	sbr.rel @p2 .LBB2_8-.Ltmp4, $4  }
0x1f6: {  	v5 =	vadd.f32 v25, v48;
	v6 =	vadd.f32 v9, v16;
	v9 =	vmul.f32 v29, v29;
	[spmem:s10] =	stream.indirect.scatter.add.f32 [tilespmem:s17], [sflag:$0x7], $0x80, s30, s6, $0xb8;
	[tilespmem:$0x1DB80] =	vst v63  }
0x1f7: {  	v0 =	vadd.f32 v28, v51;
	v16 =	vmul.f32 v25, v25;
	v7 =	vadd.f32 v10, v56;
	_ =	swait.ge [sflag:s22], $0x1400  }
0x1f8: {  	v10 =	vadd.f32 v17, v8;
	v9 =	vadd.f32 v9, v59;
	[sflag:s22] =	ssyncset.done $0x0  }
0x1f9: {  	v11 =	vadd.f32 v16, v11;
	v8 =	vadd.f32 v61, v60;
	[sflag:s22] =	ssyncadd.s32 $0xFFFFEC00  }
0x1fa: {  	s8 =	sadd.s32 s20, s24  }
0x1fb: {  	s8 =	smul.u32 $0x5, s8  }
.Ltmp5:
0x1fc: {  	_ = 	snop;
	(pc) =	sbr.rel .LBB2_2-.Ltmp5, $4  }
0x1fd: {  	s15 =	sadd.s32 s4, s8  }
0x1fe: {  	[tilespmem:s29], [sflag:$0x2] =	stream.linear.gather [hbm4b:s15+s12], $0x28, $0x38;
	[tilespmem:$0x1DB80] =	vst v63  }
0x1ff: {  	s19 =	sadd.s32 $0x1, s19;
	s8 =	sadd.s32 s5, s8  }
0x200: {  	[tilespmem:s30], [sflag:$0x2] =	stream.linear.gather [hbm4b:s8+s12], $0x28, $0x38;
	[tilespmem:$0x1DB80] =	vst v63  }
.LBB2_9:
0x201: {  	_ =	sfence.sel $0x180000  }
0x202: {  	[bflag:$0x0] =	sbarrier.arrive $0xFFFF  }
0x203: {  	_ =	strace $0x90000047  }
0x204: {  	[bflag:$0x2] =	sbarrier.arrive $0xFFFF  }
0x205: {  	s0 =	rddreg [dreg:$0xb]  }
0x206: {  	s0 =	sadd.s32 @!p0 $0x100000, s0  }
0x207: {  	[sflag:s0] =	ssyncadd.tile.s32 @!p0 $0x1;
	_ =	shalt  }
.Lfunc_end2:
_tile_overlayer_lowered:
.L_overlay_start_2:
0x208: {  	(tag) =	ssettag $0x2  }
0x209: {  	s0 =	rddreg [dreg:$0x0];
	s2 =	stileid.u32  }
0x20a: {  	s1 =	rddreg [dreg:$0x1];
	p0 =	sne.s32 s2, $0x0  }
0x20b: {  	s3 =	rddreg [dreg:$0x2];
	[bflag:$0x3] =	sbarrier.arrive $0xFFFF;
	s2 =	simm.s32 @!p0 $0x1C07  }
0x20c: {  	[timem:s3], [sflag:s2] =	dma.local @!p0 [hbm:s0], s1  }
0x20d: {  	s0 =	simm.s32 @!p0 $0x7  }
0x20e: {  	_ =	swait.ge @!p0 [sflag:s0], s1  }
0x20f: {  	s1 =	ssub.s32 @!p0 $0x0, s1;
	[sflag:s0] =	ssyncset.done @!p0 $0x0  }
0x210: {  	[sflag:s0] =	ssyncadd.s32 @!p0 s1  }
0x211: {  	[bflag:$0x3] =	sbarrier.arrive $0xFFFF  }
0x212: {  	_ =	shalt  }

</sc_bundles>
